<compile_context>
chip_gen: v7x
topology: tpu7x:2x2x1
jax: 0.10.2.dev20260603
libtpu: 0.0.44.dev20260713+nightly
codegen_flags: <defaults>
</compile_context>

<pallas_src>
import functools

import jax
import jax.numpy as jnp
from jax import lax
from jax.experimental import pallas as pl
from jax.experimental.pallas import tpu as pltpu
from jax.experimental.pallas import tpu_sc as plsc

_NUM_BINS = 64
_MAX_DIST = 25.0
_HIDDEN = 1024
_N = 4096
_NB = 16
_NC = 2
_NS = 16
_NW = _NC * _NS
_L = 16
_NP = _N + _L
_HB = _NB * _NUM_BINS
_MAX2 = _MAX_DIST * _MAX_DIST
_NG = _N // _L
_QC = 4096.0 / 625.0
_QT = 4112


def _sc_hist(pos_flat, batch, qtab):
    mesh = plsc.VectorSubcoreMesh(core_axis_name="c", subcore_axis_name="s")

    @functools.partial(
        pl.kernel,
        mesh=mesh,
        out_type=jax.ShapeDtypeStruct((_NW, _HB), jnp.float32),
        compiler_params=pltpu.CompilerParams(needs_layout_passes=False),
        scratch_types=[
            pltpu.VMEM((3 * _NP,), jnp.float32),
            pltpu.VMEM((_NP,), jnp.float32),
            pltpu.VMEM((_NP,), jnp.float32),
            pltpu.VMEM((_NP,), jnp.float32),
            pltpu.VMEM((_NP,), jnp.int32),
            pltpu.VMEM((_QT,), jnp.int32),
            pltpu.VMEM((_L * _HB,), jnp.float32),
            pltpu.VMEM((_HB,), jnp.float32),
        ],
    )
    def hist_kernel(pos_h, batch_h, qtab_h, out_h,
                    pv, xs, ys, zs, bv, qt, hist, red):
        wid = lax.axis_index("s") * _NC + lax.axis_index("c")
        pltpu.sync_copy(pos_h, pv.at[pl.ds(0, 3 * _N)])
        pltpu.sync_copy(batch_h, bv.at[pl.ds(0, _N)])
        pltpu.sync_copy(qtab_h, qt)

        zeros = jnp.zeros((_L,), jnp.float32)
        lanes = lax.iota(jnp.int32, _L)

        @plsc.parallel_loop(0, (_L * _HB) // _L, 1, unroll=8)
        def zero_body(c):
            hist[pl.ds(c * _L, _L)] = zeros

        @plsc.parallel_loop(0, _NG, 1, unroll=4)
        def deint_body(c):
            base = c * _L
            i3 = (base + lanes) * 3
            xs[pl.ds(base, _L)] = plsc.load_gather(pv, [i3])
            ys[pl.ds(base, _L)] = plsc.load_gather(pv, [i3 + 1])
            zs[pl.ds(base, _L)] = plsc.load_gather(pv, [i3 + 2])

        xs[pl.ds(_N, _L)] = zeros
        ys[pl.ds(_N, _L)] = zeros
        zs[pl.ds(_N, _L)] = zeros

        lanebase = lanes * _HB
        ones = jnp.ones((_L,), jnp.float32)

        def group_body(gr, _):
            i0 = (gr * _NW + wid) * _L
            iv = i0 + lanes
            gv = bv[pl.ds(i0, _L)]
            tgt = gv + 1
            lo = jnp.zeros((_L,), jnp.int32)
            hi = jnp.full((_L,), _N, jnp.int32)
            for _s in range(12):
                mid = (lo + hi) // 2
                below = plsc.load_gather(bv, [mid]) < tgt
                lo = jnp.where(below, mid + 1, lo)
                hi = jnp.where(below, hi, mid)
            jendv = lo
            tails = jendv - iv - 1
            trip = lax.reduce_max(tails, axes=(0,))
            xi = xs[pl.ds(i0, _L)]
            yi = ys[pl.ds(i0, _L)]
            zi = zs[pl.ds(i0, _L)]
            rowbase = lanebase + gv * _NUM_BINS

            @plsc.parallel_loop(0, trip, 1, unroll=8)
            def col_body(o):
                jb = i0 + o + 1
                dx = xi - xs[pl.ds(jb, _L)]
                dy = yi - ys[pl.ds(jb, _L)]
                dz = zi - zs[pl.ds(jb, _L)]
                d2 = dx * dx + dy * dy + dz * dz
                qi = jnp.minimum((d2 * _QC).astype(jnp.int32), 4096)
                b = plsc.load_gather(qt, [qi])
                mask = (o < tails) & (d2 <= _MAX2)
                plsc.addupdate_scatter(hist, [rowbase + b], ones, mask=mask)

            return _

        lax.fori_loop(0, _NG // _NW, group_body, None)

        @plsc.parallel_loop(0, _HB // _L, 1, unroll=2)
        def red_body(c):
            acc = hist[pl.ds(c * _L, _L)]
            for l in range(1, _L):
                acc = acc + hist[pl.ds(l * _HB + c * _L, _L)]
            red[pl.ds(c * _L, _L)] = acc

        pltpu.sync_copy(red, out_h.at[wid])

    return hist_kernel(pos_flat, batch, qtab)


def _mlp_body(p_ref, w1_ref, b1_ref, w2_ref, b2_ref, o_ref):
    p = p_ref[...]
    cols = lax.broadcasted_iota(jnp.int32, (_NB, _NW * _NB), 1)
    rows = lax.broadcasted_iota(jnp.int32, (_NB, _NW * _NB), 0)
    sel = jnp.where((cols % _NB) == rows, 1.0, 0.0)
    hist = lax.dot_general(sel, p, (((1,), (0,)), ((), ())),
                           precision=lax.Precision.HIGHEST,
                           preferred_element_type=jnp.float32)
    hist = hist / (jnp.sum(hist, axis=1, keepdims=True) + 1e-8)
    h = lax.dot_general(hist, w1_ref[...], (((1,), (1,)), ((), ())),
                        precision=lax.Precision.HIGHEST,
                        preferred_element_type=jnp.float32) + b1_ref[...]
    h = h * (1.0 / (1.0 + jnp.exp(-h)))
    o = lax.dot_general(h, w2_ref[...], (((1,), (1,)), ((), ())),
                        precision=lax.Precision.HIGHEST,
                        preferred_element_type=jnp.float32) + b2_ref[...]
    o_ref[...] = o


def kernel(pos, batch, W1, b1, W2, b2):
    pos_flat = pos.reshape(3 * _N)
    qtab = jnp.array([min(int(q ** 0.5), _NUM_BINS - 1)
                      for q in range(_QT)], jnp.int32)
    parts = _sc_hist(pos_flat, batch, qtab)
    parts2 = parts.reshape(_NW * _NB, _NUM_BINS)
    out = pl.pallas_call(
        _mlp_body,
        out_shape=jax.ShapeDtypeStruct((_NB, _HIDDEN), jnp.float32),
    )(parts2, W1, b1.reshape(1, _HIDDEN), W2, b2.reshape(1, _HIDDEN))
    return out

# --- scband reference (transcript-rebuilt; emitter-appended) ---
"""Pipeline reference for scband-long-range-distance-module-42958262895191 (READ-ONLY COPY).

The authoritative reference and input builder live on the scoring server;
editing this copy changes nothing except your own understanding.
"""

import jax, jax.numpy as jnp
import numpy as np

NUM_BINS = 64
MAX_DIST = 25.0
HIDDEN = 1024
N = 4096
NB = 16


def setup_inputs(seed: int = 0):
    key = jax.random.key(seed)
    k1, k2, k3, k4 = jax.random.split(key, 4)
    pos = jax.random.normal(k1, (N, 3), dtype=jnp.float32)
    batch = jnp.sort(jax.random.randint(k2, (N,), 0, NB, dtype=jnp.int32))
    W1 = jax.random.normal(k3, (HIDDEN, NUM_BINS), dtype=jnp.float32) * (NUM_BINS ** -0.5)
    b1 = jnp.zeros((HIDDEN,), dtype=jnp.float32)
    W2 = jax.random.normal(k4, (HIDDEN, HIDDEN), dtype=jnp.float32) * (HIDDEN ** -0.5)
    b2 = jnp.zeros((HIDDEN,), dtype=jnp.float32)
    return {"pos": pos, "batch": batch, "W1": W1, "b1": b1, "W2": W2, "b2": b2}


def reference(pos, batch, W1, b1, W2, b2):
    batch_size = NB
    # pairwise euclidean distances (cdist)
    sq = jnp.sum(pos * pos, axis=1)
    d2 = sq[:, None] + sq[None, :] - 2.0 * (pos @ pos.T)
    d = jnp.sqrt(jnp.clip(d2, 0.0, None))
    n = pos.shape[0]
    idx = jnp.arange(n)
    triu = idx[:, None] < idx[None, :]
    same = batch[:, None] == batch[None, :]
    # histc semantics: values in [0, MAX_DIST], value==MAX_DIST goes to last bin
    bin_idx = jnp.clip((d / MAX_DIST * NUM_BINS).astype(jnp.int32), 0, NUM_BINS - 1)
    valid = (d >= 0.0) & (d <= MAX_DIST) & triu & same
    combined = batch[:, None].astype(jnp.int32) * NUM_BINS + bin_idx
    hist = jnp.bincount(combined.ravel(), weights=valid.ravel().astype(jnp.float32),
                        length=batch_size * NUM_BINS)
    hist = hist.reshape(batch_size, NUM_BINS)
    hist = hist / (hist.sum(axis=1, keepdims=True) + 1e-8)
    # encoder: Linear -> SiLU -> Linear
    h = hist @ W1.T + b1
    h = h * jax.nn.sigmoid(h)
    out = h @ W2.T + b2
    return out

if __name__ == "__main__":
    import jax
    _d = setup_inputs()
    print(jax.jit(kernel)(*tuple(_d.values())))

</pallas_src>

<mosaic_0001>
#map = affine_map<(d0, d1) -> (0)>
#map1 = affine_map<(d0, d1) -> (0, 0)>
module attributes {stable_mosaic.version = 14 : i64} {
  func.func @hist_kernel(%arg0: i32, %arg1: i32, %arg2: memref<12288xf32, #tpu.memory_space<hbm>>, %arg3: memref<4096xi32, #tpu.memory_space<hbm>>, %arg4: memref<4112xi32, #tpu.memory_space<hbm>>, %arg5: memref<32x1024xf32, #tpu.memory_space<hbm>>, %arg6: memref<12336xf32, #tpu.memory_space<vmem>>, %arg7: memref<4112xf32, #tpu.memory_space<vmem>>, %arg8: memref<4112xf32, #tpu.memory_space<vmem>>, %arg9: memref<4112xf32, #tpu.memory_space<vmem>>, %arg10: memref<4112xi32, #tpu.memory_space<vmem>>, %arg11: memref<4112xi32, #tpu.memory_space<vmem>>, %arg12: memref<16384xf32, #tpu.memory_space<vmem>>, %arg13: memref<1024xf32, #tpu.memory_space<vmem>>) attributes {dimension_semantics = [#tpu.dimension_semantics<core_parallel>, #tpu.dimension_semantics<subcore_parallel>], iteration_bounds = array<i64: 2, 16>, scalar_prefetch = 0 : i64, scratch_operands = 8 : i64, tpu.core_type = #tpu.core_type<sc_vector_subcore>, window_params = [{transform_indices = #map}, {transform_indices = #map}, {transform_indices = #map}, {transform_indices = #map1}]} {
    %mul3A = arith.constant 2 : i32
    %mul3A_0 = arith.muli %arg1, %mul3A : i32
    %add3A = arith.addi %mul3A_0, %arg0 : i32
    "tpu.region"() ({
      %run_scoped3A = tpu.sem_alloc : memref<!tpu.dma_semaphore, #tpu.memory_space<semaphore_mem>>
      %dma_start3A = arith.constant 0 : i32
      %dma_start3A_24 = tpu.memref_slice %arg6[%dma_start3A] : memref<12336xf32, #tpu.memory_space<vmem>> -> memref<12288xf32, #tpu.memory_space<vmem>>
      %dma_start3A_25 = arith.constant 0 : i32
      %dma_start3A_26 = tpu.memref_slice %arg6[%dma_start3A_25] : memref<12336xf32, #tpu.memory_space<vmem>> -> memref<12288xf32, #tpu.memory_space<vmem>>
      tpu.enqueue_dma source(%arg2 : memref<12288xf32, #tpu.memory_space<hbm>>) target(%dma_start3A_26 : memref<12288xf32, #tpu.memory_space<vmem>>) target_semaphore(%run_scoped3A : memref<!tpu.dma_semaphore, #tpu.memory_space<semaphore_mem>>)
      %dma_wait3A = arith.constant 0 : i32
      %dma_wait3A_27 = tpu.memref_slice %arg6[%dma_wait3A] : memref<12336xf32, #tpu.memory_space<vmem>> -> memref<12288xf32, #tpu.memory_space<vmem>>
      %dma_wait3A_28 = arith.constant 0 : i32
      %dma_wait3A_29 = tpu.memref_slice %arg6[%dma_wait3A_28] : memref<12336xf32, #tpu.memory_space<vmem>> -> memref<12288xf32, #tpu.memory_space<vmem>>
      tpu.wait_dma2 semaphore(%run_scoped3A : memref<!tpu.dma_semaphore, #tpu.memory_space<semaphore_mem>>) src(%arg2 : memref<12288xf32, #tpu.memory_space<hbm>>) dst(%dma_wait3A_29 : memref<12288xf32, #tpu.memory_space<vmem>>)
      tpu.yield
    }) : () -> ()
    "tpu.region"() ({
      %run_scoped3A = tpu.sem_alloc : memref<!tpu.dma_semaphore, #tpu.memory_space<semaphore_mem>>
      %dma_start3A = arith.constant 0 : i32
      %dma_start3A_24 = tpu.memref_slice %arg10[%dma_start3A] : memref<4112xi32, #tpu.memory_space<vmem>> -> memref<4096xi32, #tpu.memory_space<vmem>>
      %dma_start3A_25 = arith.constant 0 : i32
      %dma_start3A_26 = tpu.memref_slice %arg10[%dma_start3A_25] : memref<4112xi32, #tpu.memory_space<vmem>> -> memref<4096xi32, #tpu.memory_space<vmem>>
      tpu.enqueue_dma source(%arg3 : memref<4096xi32, #tpu.memory_space<hbm>>) target(%dma_start3A_26 : memref<4096xi32, #tpu.memory_space<vmem>>) target_semaphore(%run_scoped3A : memref<!tpu.dma_semaphore, #tpu.memory_space<semaphore_mem>>)
      %dma_wait3A = arith.constant 0 : i32
      %dma_wait3A_27 = tpu.memref_slice %arg10[%dma_wait3A] : memref<4112xi32, #tpu.memory_space<vmem>> -> memref<4096xi32, #tpu.memory_space<vmem>>
      %dma_wait3A_28 = arith.constant 0 : i32
      %dma_wait3A_29 = tpu.memref_slice %arg10[%dma_wait3A_28] : memref<4112xi32, #tpu.memory_space<vmem>> -> memref<4096xi32, #tpu.memory_space<vmem>>
      tpu.wait_dma2 semaphore(%run_scoped3A : memref<!tpu.dma_semaphore, #tpu.memory_space<semaphore_mem>>) src(%arg3 : memref<4096xi32, #tpu.memory_space<hbm>>) dst(%dma_wait3A_29 : memref<4096xi32, #tpu.memory_space<vmem>>)
      tpu.yield
    }) : () -> ()
    "tpu.region"() ({
      %run_scoped3A = tpu.sem_alloc : memref<!tpu.dma_semaphore, #tpu.memory_space<semaphore_mem>>
      tpu.enqueue_dma source(%arg4 : memref<4112xi32, #tpu.memory_space<hbm>>) target(%arg11 : memref<4112xi32, #tpu.memory_space<vmem>>) target_semaphore(%run_scoped3A : memref<!tpu.dma_semaphore, #tpu.memory_space<semaphore_mem>>)
      tpu.wait_dma2 semaphore(%run_scoped3A : memref<!tpu.dma_semaphore, #tpu.memory_space<semaphore_mem>>) src(%arg4 : memref<4112xi32, #tpu.memory_space<hbm>>) dst(%arg11 : memref<4112xi32, #tpu.memory_space<vmem>>)
      tpu.yield
    }) : () -> ()
    %broadcast_in_dim3A = arith.constant 0.000000e+00 : f32
    %broadcast_in_dim3A_1 = vector.broadcast %broadcast_in_dim3A : f32 to vector<16xf32>
    %iota3A = tpu.iota {dimensions = array<i32: 0>} : vector<16xi32>
    %parallel_loop3A = arith.constant 0 : i32
    %parallel_loop3A_2 = arith.constant 1024 : i32
    %parallel_loop3A_3 = arith.constant 1 : i32
    scf.for %parallel_loop3A_24 = %parallel_loop3A to %parallel_loop3A_2 step %parallel_loop3A_3  : i32 {
      %parallel_loop3A_25 = arith.constant 16 : i32
      %parallel_loop3A_26 = arith.muli %parallel_loop3A_24, %parallel_loop3A_25 : i32
      %parallel_loop3A_27 = arith.index_cast %parallel_loop3A_26 : i32 to index
      %parallel_loop3A_28 = tpu.vector_load %arg12[%parallel_loop3A_27] {strides = array<i32>} : memref<16384xf32, #tpu.memory_space<vmem>>, vector<16xf32>,
      tpu.vector_store %arg12[%parallel_loop3A_27], %broadcast_in_dim3A_1 {strides = array<i32>} : memref<16384xf32, #tpu.memory_space<vmem>>, vector<16xf32>,
    } {sc.loop_unroll_factor = 8 : i64, sc.parallel_access}
    %parallel_loop3A_4 = arith.constant 0 : i32
    %parallel_loop3A_5 = arith.constant 256 : i32
    %parallel_loop3A_6 = arith.constant 1 : i32
    scf.for %parallel_loop3A_24 = %parallel_loop3A_4 to %parallel_loop3A_5 step %parallel_loop3A_6  : i32 {
      %parallel_loop3A_25 = arith.constant 16 : i32
      %parallel_loop3A_26 = arith.muli %parallel_loop3A_24, %parallel_loop3A_25 : i32
      %parallel_loop3A_27 = vector.broadcast %parallel_loop3A_26 : i32 to vector<16xi32>
      %parallel_loop3A_28 = arith.addi %parallel_loop3A_27, %iota3A : vector<16xi32>
      %parallel_loop3A_29 = arith.constant 3 : i32
      %parallel_loop3A_30 = vector.broadcast %parallel_loop3A_29 : i32 to vector<16xi32>
      %parallel_loop3A_31 = arith.muli %parallel_loop3A_28, %parallel_loop3A_30 : vector<16xi32>
      %parallel_loop3A_32 = tpu.vector_load_idx %arg6[%parallel_loop3A_31] : memref<12336xf32, #tpu.memory_space<vmem>>[vector<16xi32>], vector<16xf32>,
      %parallel_loop3A_33 = arith.index_cast %parallel_loop3A_26 : i32 to index
      %parallel_loop3A_34 = tpu.vector_load %arg7[%parallel_loop3A_33] {strides = array<i32>} : memref<4112xf32, #tpu.memory_space<vmem>>, vector<16xf32>,
      tpu.vector_store %arg7[%parallel_loop3A_33], %parallel_loop3A_32 {strides = array<i32>} : memref<4112xf32, #tpu.memory_space<vmem>>, vector<16xf32>,
      %parallel_loop3A_35 = arith.constant 1 : i32
      %parallel_loop3A_36 = vector.broadcast %parallel_loop3A_35 : i32 to vector<16xi32>
      %parallel_loop3A_37 = arith.addi %parallel_loop3A_31, %parallel_loop3A_36 : vector<16xi32>
      %parallel_loop3A_38 = tpu.vector_load_idx %arg6[%parallel_loop3A_37] : memref<12336xf32, #tpu.memory_space<vmem>>[vector<16xi32>], vector<16xf32>,
      %parallel_loop3A_39 = arith.index_cast %parallel_loop3A_26 : i32 to index
      %parallel_loop3A_40 = tpu.vector_load %arg8[%parallel_loop3A_39] {strides = array<i32>} : memref<4112xf32, #tpu.memory_space<vmem>>, vector<16xf32>,
      tpu.vector_store %arg8[%parallel_loop3A_39], %parallel_loop3A_38 {strides = array<i32>} : memref<4112xf32, #tpu.memory_space<vmem>>, vector<16xf32>,
      %parallel_loop3A_41 = arith.constant 2 : i32
      %parallel_loop3A_42 = vector.broadcast %parallel_loop3A_41 : i32 to vector<16xi32>
      %parallel_loop3A_43 = arith.addi %parallel_loop3A_31, %parallel_loop3A_42 : vector<16xi32>
      %parallel_loop3A_44 = tpu.vector_load_idx %arg6[%parallel_loop3A_43] : memref<12336xf32, #tpu.memory_space<vmem>>[vector<16xi32>], vector<16xf32>,
      %parallel_loop3A_45 = arith.index_cast %parallel_loop3A_26 : i32 to index
      %parallel_loop3A_46 = tpu.vector_load %arg9[%parallel_loop3A_45] {strides = array<i32>} : memref<4112xf32, #tpu.memory_space<vmem>>, vector<16xf32>,
      tpu.vector_store %arg9[%parallel_loop3A_45], %parallel_loop3A_44 {strides = array<i32>} : memref<4112xf32, #tpu.memory_space<vmem>>, vector<16xf32>,
    } {sc.loop_unroll_factor = 4 : i64, sc.parallel_access}
    %swap3A = arith.constant 4096 : index
    %swap3A_7 = tpu.vector_load %arg7[%swap3A] {strides = array<i32>} : memref<4112xf32, #tpu.memory_space<vmem>>, vector<16xf32>,
    tpu.vector_store %arg7[%swap3A], %broadcast_in_dim3A_1 {strides = array<i32>} : memref<4112xf32, #tpu.memory_space<vmem>>, vector<16xf32>,
    %swap3A_8 = arith.constant 4096 : index
    %swap3A_9 = tpu.vector_load %arg8[%swap3A_8] {strides = array<i32>} : memref<4112xf32, #tpu.memory_space<vmem>>, vector<16xf32>,
    tpu.vector_store %arg8[%swap3A_8], %broadcast_in_dim3A_1 {strides = array<i32>} : memref<4112xf32, #tpu.memory_space<vmem>>, vector<16xf32>,
    %swap3A_10 = arith.constant 4096 : index
    %swap3A_11 = tpu.vector_load %arg9[%swap3A_10] {strides = array<i32>} : memref<4112xf32, #tpu.memory_space<vmem>>, vector<16xf32>,
    tpu.vector_store %arg9[%swap3A_10], %broadcast_in_dim3A_1 {strides = array<i32>} : memref<4112xf32, #tpu.memory_space<vmem>>, vector<16xf32>,
    %mul3A_12 = arith.constant 1024 : i32
    %mul3A_13 = vector.broadcast %mul3A_12 : i32 to vector<16xi32>
    %mul3A_14 = arith.muli %iota3A, %mul3A_13 : vector<16xi32>
    %broadcast_in_dim3A_15 = arith.constant 1.000000e+00 : f32
    %broadcast_in_dim3A_16 = vector.broadcast %broadcast_in_dim3A_15 : f32 to vector<16xf32>
    %scan3A = arith.constant 0 : i32
    %scan3A_17 = arith.constant 8 : i32
    %scan3A_18 = arith.addi %scan3A, %scan3A_17 : i32
    %scan3A_19 = arith.constant 1 : i32
    scf.for %scan3A_24 = %scan3A to %scan3A_18 step %scan3A_19  : i32 {
      %mul3A_25 = arith.constant 32 : i32
      %mul3A_26 = arith.muli %scan3A_24, %mul3A_25 : i32
      %add3A_27 = arith.addi %mul3A_26, %add3A : i32
      %mul3A_28 = arith.constant 16 : i32
      %mul3A_29 = arith.muli %add3A_27, %mul3A_28 : i32
      %add3A_30 = vector.broadcast %mul3A_29 : i32 to vector<16xi32>
      %add3A_31 = arith.addi %add3A_30, %iota3A : vector<16xi32>
      %get3A = arith.index_cast %mul3A_29 : i32 to index
      %get3A_32 = tpu.vector_load %arg10[%get3A] {strides = array<i32>} : memref<4112xi32, #tpu.memory_space<vmem>>, vector<16xi32>,
      %add3A_33 = arith.constant 1 : i32
      %add3A_34 = vector.broadcast %add3A_33 : i32 to vector<16xi32>
      %add3A_35 = arith.addi %get3A_32, %add3A_34 : vector<16xi32>
      %broadcast_in_dim3A_36 = arith.constant 0 : i32
      %broadcast_in_dim3A_37 = vector.broadcast %broadcast_in_dim3A_36 : i32 to vector<16xi32>
      %broadcast_in_dim3A_38 = arith.constant 4096 : i32
      %broadcast_in_dim3A_39 = vector.broadcast %broadcast_in_dim3A_38 : i32 to vector<16xi32>
      %add3A_40 = arith.addi %broadcast_in_dim3A_37, %broadcast_in_dim3A_39 : vector<16xi32>
      %jit3A = arith.constant 2 : i32
      %div3A = vector.broadcast %jit3A : i32 to vector<16xi32>
      %div3A_41 = arith.divsi %add3A_40, %div3A : vector<16xi32>
      %sign3A = arith.constant 0 : i32
      %sign3A_42 = vector.broadcast %sign3A : i32 to vector<16xi32>
      %sign3A_43 = arith.cmpi sgt, %add3A_40, %sign3A_42 : vector<16xi32>
      %sign3A_44 = arith.extui %sign3A_43 : vector<16xi1> to vector<16xi32>
      %sign3A_45 = arith.constant 0 : i32
      %sign3A_46 = vector.broadcast %sign3A_45 : i32 to vector<16xi32>
      %sign3A_47 = arith.cmpi slt, %add3A_40, %sign3A_46 : vector<16xi32>
      %sign3A_48 = arith.extui %sign3A_47 : vector<16xi1> to vector<16xi32>
      %sign3A_49 = arith.subi %sign3A_44, %sign3A_48 : vector<16xi32>
      %sign3A_50 = arith.constant 0 : i32
      %sign3A_51 = arith.cmpi sgt, %jit3A, %sign3A_50 : i32
      %sign3A_52 = arith.extui %sign3A_51 : i1 to i32
      %sign3A_53 = arith.constant 0 : i32
      %sign3A_54 = arith.cmpi slt, %jit3A, %sign3A_53 : i32
      %sign3A_55 = arith.extui %sign3A_54 : i1 to i32
      %sign3A_56 = arith.subi %sign3A_52, %sign3A_55 : i32
      %ne3A = vector.broadcast %sign3A_56 : i32 to vector<16xi32>
      %ne3A_57 = arith.cmpi ne, %sign3A_49, %ne3A : vector<16xi32>
      %rem3A = vector.broadcast %jit3A : i32 to vector<16xi32>
      %rem3A_58 = arith.remsi %add3A_40, %rem3A : vector<16xi32>
      %ne3A_59 = arith.constant 0 : i32
      %ne3A_60 = vector.broadcast %ne3A_59 : i32 to vector<16xi32>
      %ne3A_61 = arith.cmpi ne, %rem3A_58, %ne3A_60 : vector<16xi32>
      %and3A = arith.andi %ne3A_57, %ne3A_61 : vector<16xi1>
      %sub3A = arith.constant 1 : i32
      %sub3A_62 = vector.broadcast %sub3A : i32 to vector<16xi32>
      %sub3A_63 = arith.subi %div3A_41, %sub3A_62 : vector<16xi32>
      %select_n3A = arith.select %and3A, %sub3A_63, %div3A_41 : vector<16xi1>, vector<16xi32>
      %gather3A = tpu.vector_load_idx %arg10[%select_n3A] : memref<4112xi32, #tpu.memory_space<vmem>>[vector<16xi32>], vector<16xi32>,
      %lt3A = arith.cmpi slt, %gather3A, %add3A_35 : vector<16xi32>
      %add3A_64 = arith.constant 1 : i32
      %add3A_65 = vector.broadcast %add3A_64 : i32 to vector<16xi32>
      %add3A_66 = arith.addi %select_n3A, %add3A_65 : vector<16xi32>
      %select_n3A_67 = arith.select %lt3A, %add3A_66, %broadcast_in_dim3A_37 : vector<16xi1>, vector<16xi32>
      %select_n3A_68 = arith.select %lt3A, %broadcast_in_dim3A_39, %select_n3A : vector<16xi1>, vector<16xi32>
      %add3A_69 = arith.addi %select_n3A_67, %select_n3A_68 : vector<16xi32>
      %jit3A_70 = arith.constant 2 : i32
      %div3A_71 = vector.broadcast %jit3A_70 : i32 to vector<16xi32>
      %div3A_72 = arith.divsi %add3A_69, %div3A_71 : vector<16xi32>
      %sign3A_73 = arith.constant 0 : i32
      %sign3A_74 = vector.broadcast %sign3A_73 : i32 to vector<16xi32>
      %sign3A_75 = arith.cmpi sgt, %add3A_69, %sign3A_74 : vector<16xi32>
      %sign3A_76 = arith.extui %sign3A_75 : vector<16xi1> to vector<16xi32>
      %sign3A_77 = arith.constant 0 : i32
      %sign3A_78 = vector.broadcast %sign3A_77 : i32 to vector<16xi32>
      %sign3A_79 = arith.cmpi slt, %add3A_69, %sign3A_78 : vector<16xi32>
      %sign3A_80 = arith.extui %sign3A_79 : vector<16xi1> to vector<16xi32>
      %sign3A_81 = arith.subi %sign3A_76, %sign3A_80 : vector<16xi32>
      %sign3A_82 = arith.constant 0 : i32
      %sign3A_83 = arith.cmpi sgt, %jit3A_70, %sign3A_82 : i32
      %sign3A_84 = arith.extui %sign3A_83 : i1 to i32
      %sign3A_85 = arith.constant 0 : i32
      %sign3A_86 = arith.cmpi slt, %jit3A_70, %sign3A_85 : i32
      %sign3A_87 = arith.extui %sign3A_86 : i1 to i32
      %sign3A_88 = arith.subi %sign3A_84, %sign3A_87 : i32
      %ne3A_89 = vector.broadcast %sign3A_88 : i32 to vector<16xi32>
      %ne3A_90 = arith.cmpi ne, %sign3A_81, %ne3A_89 : vector<16xi32>
      %rem3A_91 = vector.broadcast %jit3A_70 : i32 to vector<16xi32>
      %rem3A_92 = arith.remsi %add3A_69, %rem3A_91 : vector<16xi32>
      %ne3A_93 = arith.constant 0 : i32
      %ne3A_94 = vector.broadcast %ne3A_93 : i32 to vector<16xi32>
      %ne3A_95 = arith.cmpi ne, %rem3A_92, %ne3A_94 : vector<16xi32>
      %and3A_96 = arith.andi %ne3A_90, %ne3A_95 : vector<16xi1>
      %sub3A_97 = arith.constant 1 : i32
      %sub3A_98 = vector.broadcast %sub3A_97 : i32 to vector<16xi32>
      %sub3A_99 = arith.subi %div3A_72, %sub3A_98 : vector<16xi32>
      %select_n3A_100 = arith.select %and3A_96, %sub3A_99, %div3A_72 : vector<16xi1>, vector<16xi32>
      %gather3A_101 = tpu.vector_load_idx %arg10[%select_n3A_100] : memref<4112xi32, #tpu.memory_space<vmem>>[vector<16xi32>], vector<16xi32>,
      %lt3A_102 = arith.cmpi slt, %gather3A_101, %add3A_35 : vector<16xi32>
      %add3A_103 = arith.constant 1 : i32
      %add3A_104 = vector.broadcast %add3A_103 : i32 to vector<16xi32>
      %add3A_105 = arith.addi %select_n3A_100, %add3A_104 : vector<16xi32>
      %select_n3A_106 = arith.select %lt3A_102, %add3A_105, %select_n3A_67 : vector<16xi1>, vector<16xi32>
      %select_n3A_107 = arith.select %lt3A_102, %select_n3A_68, %select_n3A_100 : vector<16xi1>, vector<16xi32>
      %add3A_108 = arith.addi %select_n3A_106, %select_n3A_107 : vector<16xi32>
      %jit3A_109 = arith.constant 2 : i32
      %div3A_110 = vector.broadcast %jit3A_109 : i32 to vector<16xi32>
      %div3A_111 = arith.divsi %add3A_108, %div3A_110 : vector<16xi32>
      %sign3A_112 = arith.constant 0 : i32
      %sign3A_113 = vector.broadcast %sign3A_112 : i32 to vector<16xi32>
      %sign3A_114 = arith.cmpi sgt, %add3A_108, %sign3A_113 : vector<16xi32>
      %sign3A_115 = arith.extui %sign3A_114 : vector<16xi1> to vector<16xi32>
      %sign3A_116 = arith.constant 0 : i32
      %sign3A_117 = vector.broadcast %sign3A_116 : i32 to vector<16xi32>
      %sign3A_118 = arith.cmpi slt, %add3A_108, %sign3A_117 : vector<16xi32>
      %sign3A_119 = arith.extui %sign3A_118 : vector<16xi1> to vector<16xi32>
      %sign3A_120 = arith.subi %sign3A_115, %sign3A_119 : vector<16xi32>
      %sign3A_121 = arith.constant 0 : i32
      %sign3A_122 = arith.cmpi sgt, %jit3A_109, %sign3A_121 : i32
      %sign3A_123 = arith.extui %sign3A_122 : i1 to i32
      %sign3A_124 = arith.constant 0 : i32
      %sign3A_125 = arith.cmpi slt, %jit3A_109, %sign3A_124 : i32
      %sign3A_126 = arith.extui %sign3A_125 : i1 to i32
      %sign3A_127 = arith.subi %sign3A_123, %sign3A_126 : i32
      %ne3A_128 = vector.broadcast %sign3A_127 : i32 to vector<16xi32>
      %ne3A_129 = arith.cmpi ne, %sign3A_120, %ne3A_128 : vector<16xi32>
      %rem3A_130 = vector.broadcast %jit3A_109 : i32 to vector<16xi32>
      %rem3A_131 = arith.remsi %add3A_108, %rem3A_130 : vector<16xi32>
      %ne3A_132 = arith.constant 0 : i32
      %ne3A_133 = vector.broadcast %ne3A_132 : i32 to vector<16xi32>
      %ne3A_134 = arith.cmpi ne, %rem3A_131, %ne3A_133 : vector<16xi32>
      %and3A_135 = arith.andi %ne3A_129, %ne3A_134 : vector<16xi1>
      %sub3A_136 = arith.constant 1 : i32
      %sub3A_137 = vector.broadcast %sub3A_136 : i32 to vector<16xi32>
      %sub3A_138 = arith.subi %div3A_111, %sub3A_137 : vector<16xi32>
      %select_n3A_139 = arith.select %and3A_135, %sub3A_138, %div3A_111 : vector<16xi1>, vector<16xi32>
      %gather3A_140 = tpu.vector_load_idx %arg10[%select_n3A_139] : memref<4112xi32, #tpu.memory_space<vmem>>[vector<16xi32>], vector<16xi32>,
      %lt3A_141 = arith.cmpi slt, %gather3A_140, %add3A_35 : vector<16xi32>
      %add3A_142 = arith.constant 1 : i32
      %add3A_143 = vector.broadcast %add3A_142 : i32 to vector<16xi32>
      %add3A_144 = arith.addi %select_n3A_139, %add3A_143 : vector<16xi32>
      %select_n3A_145 = arith.select %lt3A_141, %add3A_144, %select_n3A_106 : vector<16xi1>, vector<16xi32>
      %select_n3A_146 = arith.select %lt3A_141, %select_n3A_107, %select_n3A_139 : vector<16xi1>, vector<16xi32>
      %add3A_147 = arith.addi %select_n3A_145, %select_n3A_146 : vector<16xi32>
      %jit3A_148 = arith.constant 2 : i32
      %div3A_149 = vector.broadcast %jit3A_148 : i32 to vector<16xi32>
      %div3A_150 = arith.divsi %add3A_147, %div3A_149 : vector<16xi32>
      %sign3A_151 = arith.constant 0 : i32
      %sign3A_152 = vector.broadcast %sign3A_151 : i32 to vector<16xi32>
      %sign3A_153 = arith.cmpi sgt, %add3A_147, %sign3A_152 : vector<16xi32>
      %sign3A_154 = arith.extui %sign3A_153 : vector<16xi1> to vector<16xi32>
      %sign3A_155 = arith.constant 0 : i32
      %sign3A_156 = vector.broadcast %sign3A_155 : i32 to vector<16xi32>
      %sign3A_157 = arith.cmpi slt, %add3A_147, %sign3A_156 : vector<16xi32>
      %sign3A_158 = arith.extui %sign3A_157 : vector<16xi1> to vector<16xi32>
      %sign3A_159 = arith.subi %sign3A_154, %sign3A_158 : vector<16xi32>
      %sign3A_160 = arith.constant 0 : i32
      %sign3A_161 = arith.cmpi sgt, %jit3A_148, %sign3A_160 : i32
      %sign3A_162 = arith.extui %sign3A_161 : i1 to i32
      %sign3A_163 = arith.constant 0 : i32
      %sign3A_164 = arith.cmpi slt, %jit3A_148, %sign3A_163 : i32
      %sign3A_165 = arith.extui %sign3A_164 : i1 to i32
      %sign3A_166 = arith.subi %sign3A_162, %sign3A_165 : i32
      %ne3A_167 = vector.broadcast %sign3A_166 : i32 to vector<16xi32>
      %ne3A_168 = arith.cmpi ne, %sign3A_159, %ne3A_167 : vector<16xi32>
      %rem3A_169 = vector.broadcast %jit3A_148 : i32 to vector<16xi32>
      %rem3A_170 = arith.remsi %add3A_147, %rem3A_169 : vector<16xi32>
      %ne3A_171 = arith.constant 0 : i32
      %ne3A_172 = vector.broadcast %ne3A_171 : i32 to vector<16xi32>
      %ne3A_173 = arith.cmpi ne, %rem3A_170, %ne3A_172 : vector<16xi32>
      %and3A_174 = arith.andi %ne3A_168, %ne3A_173 : vector<16xi1>
      %sub3A_175 = arith.constant 1 : i32
      %sub3A_176 = vector.broadcast %sub3A_175 : i32 to vector<16xi32>
      %sub3A_177 = arith.subi %div3A_150, %sub3A_176 : vector<16xi32>
      %select_n3A_178 = arith.select %and3A_174, %sub3A_177, %div3A_150 : vector<16xi1>, vector<16xi32>
      %gather3A_179 = tpu.vector_load_idx %arg10[%select_n3A_178] : memref<4112xi32, #tpu.memory_space<vmem>>[vector<16xi32>], vector<16xi32>,
      %lt3A_180 = arith.cmpi slt, %gather3A_179, %add3A_35 : vector<16xi32>
      %add3A_181 = arith.constant 1 : i32
      %add3A_182 = vector.broadcast %add3A_181 : i32 to vector<16xi32>
      %add3A_183 = arith.addi %select_n3A_178, %add3A_182 : vector<16xi32>
      %select_n3A_184 = arith.select %lt3A_180, %add3A_183, %select_n3A_145 : vector<16xi1>, vector<16xi32>
      %select_n3A_185 = arith.select %lt3A_180, %select_n3A_146, %select_n3A_178 : vector<16xi1>, vector<16xi32>
      %add3A_186 = arith.addi %select_n3A_184, %select_n3A_185 : vector<16xi32>
      %jit3A_187 = arith.constant 2 : i32
      %div3A_188 = vector.broadcast %jit3A_187 : i32 to vector<16xi32>
      %div3A_189 = arith.divsi %add3A_186, %div3A_188 : vector<16xi32>
      %sign3A_190 = arith.constant 0 : i32
      %sign3A_191 = vector.broadcast %sign3A_190 : i32 to vector<16xi32>
      %sign3A_192 = arith.cmpi sgt, %add3A_186, %sign3A_191 : vector<16xi32>
      %sign3A_193 = arith.extui %sign3A_192 : vector<16xi1> to vector<16xi32>
      %sign3A_194 = arith.constant 0 : i32
      %sign3A_195 = vector.broadcast %sign3A_194 : i32 to vector<16xi32>
      %sign3A_196 = arith.cmpi slt, %add3A_186, %sign3A_195 : vector<16xi32>
      %sign3A_197 = arith.extui %sign3A_196 : vector<16xi1> to vector<16xi32>
      %sign3A_198 = arith.subi %sign3A_193, %sign3A_197 : vector<16xi32>
      %sign3A_199 = arith.constant 0 : i32
      %sign3A_200 = arith.cmpi sgt, %jit3A_187, %sign3A_199 : i32
      %sign3A_201 = arith.extui %sign3A_200 : i1 to i32
      %sign3A_202 = arith.constant 0 : i32
      %sign3A_203 = arith.cmpi slt, %jit3A_187, %sign3A_202 : i32
      %sign3A_204 = arith.extui %sign3A_203 : i1 to i32
      %sign3A_205 = arith.subi %sign3A_201, %sign3A_204 : i32
      %ne3A_206 = vector.broadcast %sign3A_205 : i32 to vector<16xi32>
      %ne3A_207 = arith.cmpi ne, %sign3A_198, %ne3A_206 : vector<16xi32>
      %rem3A_208 = vector.broadcast %jit3A_187 : i32 to vector<16xi32>
      %rem3A_209 = arith.remsi %add3A_186, %rem3A_208 : vector<16xi32>
      %ne3A_210 = arith.constant 0 : i32
      %ne3A_211 = vector.broadcast %ne3A_210 : i32 to vector<16xi32>
      %ne3A_212 = arith.cmpi ne, %rem3A_209, %ne3A_211 : vector<16xi32>
      %and3A_213 = arith.andi %ne3A_207, %ne3A_212 : vector<16xi1>
      %sub3A_214 = arith.constant 1 : i32
      %sub3A_215 = vector.broadcast %sub3A_214 : i32 to vector<16xi32>
      %sub3A_216 = arith.subi %div3A_189, %sub3A_215 : vector<16xi32>
      %select_n3A_217 = arith.select %and3A_213, %sub3A_216, %div3A_189 : vector<16xi1>, vector<16xi32>
      %gather3A_218 = tpu.vector_load_idx %arg10[%select_n3A_217] : memref<4112xi32, #tpu.memory_space<vmem>>[vector<16xi32>], vector<16xi32>,
      %lt3A_219 = arith.cmpi slt, %gather3A_218, %add3A_35 : vector<16xi32>
      %add3A_220 = arith.constant 1 : i32
      %add3A_221 = vector.broadcast %add3A_220 : i32 to vector<16xi32>
      %add3A_222 = arith.addi %select_n3A_217, %add3A_221 : vector<16xi32>
      %select_n3A_223 = arith.select %lt3A_219, %add3A_222, %select_n3A_184 : vector<16xi1>, vector<16xi32>
      %select_n3A_224 = arith.select %lt3A_219, %select_n3A_185, %select_n3A_217 : vector<16xi1>, vector<16xi32>
      %add3A_225 = arith.addi %select_n3A_223, %select_n3A_224 : vector<16xi32>
      %jit3A_226 = arith.constant 2 : i32
      %div3A_227 = vector.broadcast %jit3A_226 : i32 to vector<16xi32>
      %div3A_228 = arith.divsi %add3A_225, %div3A_227 : vector<16xi32>
      %sign3A_229 = arith.constant 0 : i32
      %sign3A_230 = vector.broadcast %sign3A_229 : i32 to vector<16xi32>
      %sign3A_231 = arith.cmpi sgt, %add3A_225, %sign3A_230 : vector<16xi32>
      %sign3A_232 = arith.extui %sign3A_231 : vector<16xi1> to vector<16xi32>
      %sign3A_233 = arith.constant 0 : i32
      %sign3A_234 = vector.broadcast %sign3A_233 : i32 to vector<16xi32>
      %sign3A_235 = arith.cmpi slt, %add3A_225, %sign3A_234 : vector<16xi32>
      %sign3A_236 = arith.extui %sign3A_235 : vector<16xi1> to vector<16xi32>
      %sign3A_237 = arith.subi %sign3A_232, %sign3A_236 : vector<16xi32>
      %sign3A_238 = arith.constant 0 : i32
      %sign3A_239 = arith.cmpi sgt, %jit3A_226, %sign3A_238 : i32
      %sign3A_240 = arith.extui %sign3A_239 : i1 to i32
      %sign3A_241 = arith.constant 0 : i32
      %sign3A_242 = arith.cmpi slt, %jit3A_226, %sign3A_241 : i32
      %sign3A_243 = arith.extui %sign3A_242 : i1 to i32
      %sign3A_244 = arith.subi %sign3A_240, %sign3A_243 : i32
      %ne3A_245 = vector.broadcast %sign3A_244 : i32 to vector<16xi32>
      %ne3A_246 = arith.cmpi ne, %sign3A_237, %ne3A_245 : vector<16xi32>
      %rem3A_247 = vector.broadcast %jit3A_226 : i32 to vector<16xi32>
      %rem3A_248 = arith.remsi %add3A_225, %rem3A_247 : vector<16xi32>
      %ne3A_249 = arith.constant 0 : i32
      %ne3A_250 = vector.broadcast %ne3A_249 : i32 to vector<16xi32>
      %ne3A_251 = arith.cmpi ne, %rem3A_248, %ne3A_250 : vector<16xi32>
      %and3A_252 = arith.andi %ne3A_246, %ne3A_251 : vector<16xi1>
      %sub3A_253 = arith.constant 1 : i32
      %sub3A_254 = vector.broadcast %sub3A_253 : i32 to vector<16xi32>
      %sub3A_255 = arith.subi %div3A_228, %sub3A_254 : vector<16xi32>
      %select_n3A_256 = arith.select %and3A_252, %sub3A_255, %div3A_228 : vector<16xi1>, vector<16xi32>
      %gather3A_257 = tpu.vector_load_idx %arg10[%select_n3A_256] : memref<4112xi32, #tpu.memory_space<vmem>>[vector<16xi32>], vector<16xi32>,
      %lt3A_258 = arith.cmpi slt, %gather3A_257, %add3A_35 : vector<16xi32>
      %add3A_259 = arith.constant 1 : i32
      %add3A_260 = vector.broadcast %add3A_259 : i32 to vector<16xi32>
      %add3A_261 = arith.addi %select_n3A_256, %add3A_260 : vector<16xi32>
      %select_n3A_262 = arith.select %lt3A_258, %add3A_261, %select_n3A_223 : vector<16xi1>, vector<16xi32>
      %select_n3A_263 = arith.select %lt3A_258, %select_n3A_224, %select_n3A_256 : vector<16xi1>, vector<16xi32>
      %add3A_264 = arith.addi %select_n3A_262, %select_n3A_263 : vector<16xi32>
      %jit3A_265 = arith.constant 2 : i32
      %div3A_266 = vector.broadcast %jit3A_265 : i32 to vector<16xi32>
      %div3A_267 = arith.divsi %add3A_264, %div3A_266 : vector<16xi32>
      %sign3A_268 = arith.constant 0 : i32
      %sign3A_269 = vector.broadcast %sign3A_268 : i32 to vector<16xi32>
      %sign3A_270 = arith.cmpi sgt, %add3A_264, %sign3A_269 : vector<16xi32>
      %sign3A_271 = arith.extui %sign3A_270 : vector<16xi1> to vector<16xi32>
      %sign3A_272 = arith.constant 0 : i32
      %sign3A_273 = vector.broadcast %sign3A_272 : i32 to vector<16xi32>
      %sign3A_274 = arith.cmpi slt, %add3A_264, %sign3A_273 : vector<16xi32>
      %sign3A_275 = arith.extui %sign3A_274 : vector<16xi1> to vector<16xi32>
      %sign3A_276 = arith.subi %sign3A_271, %sign3A_275 : vector<16xi32>
      %sign3A_277 = arith.constant 0 : i32
      %sign3A_278 = arith.cmpi sgt, %jit3A_265, %sign3A_277 : i32
      %sign3A_279 = arith.extui %sign3A_278 : i1 to i32
      %sign3A_280 = arith.constant 0 : i32
      %sign3A_281 = arith.cmpi slt, %jit3A_265, %sign3A_280 : i32
      %sign3A_282 = arith.extui %sign3A_281 : i1 to i32
      %sign3A_283 = arith.subi %sign3A_279, %sign3A_282 : i32
      %ne3A_284 = vector.broadcast %sign3A_283 : i32 to vector<16xi32>
      %ne3A_285 = arith.cmpi ne, %sign3A_276, %ne3A_284 : vector<16xi32>
      %rem3A_286 = vector.broadcast %jit3A_265 : i32 to vector<16xi32>
      %rem3A_287 = arith.remsi %add3A_264, %rem3A_286 : vector<16xi32>
      %ne3A_288 = arith.constant 0 : i32
      %ne3A_289 = vector.broadcast %ne3A_288 : i32 to vector<16xi32>
      %ne3A_290 = arith.cmpi ne, %rem3A_287, %ne3A_289 : vector<16xi32>
      %and3A_291 = arith.andi %ne3A_285, %ne3A_290 : vector<16xi1>
      %sub3A_292 = arith.constant 1 : i32
      %sub3A_293 = vector.broadcast %sub3A_292 : i32 to vector<16xi32>
      %sub3A_294 = arith.subi %div3A_267, %sub3A_293 : vector<16xi32>
      %select_n3A_295 = arith.select %and3A_291, %sub3A_294, %div3A_267 : vector<16xi1>, vector<16xi32>
      %gather3A_296 = tpu.vector_load_idx %arg10[%select_n3A_295] : memref<4112xi32, #tpu.memory_space<vmem>>[vector<16xi32>], vector<16xi32>,
      %lt3A_297 = arith.cmpi slt, %gather3A_296, %add3A_35 : vector<16xi32>
      %add3A_298 = arith.constant 1 : i32
      %add3A_299 = vector.broadcast %add3A_298 : i32 to vector<16xi32>
      %add3A_300 = arith.addi %select_n3A_295, %add3A_299 : vector<16xi32>
      %select_n3A_301 = arith.select %lt3A_297, %add3A_300, %select_n3A_262 : vector<16xi1>, vector<16xi32>
      %select_n3A_302 = arith.select %lt3A_297, %select_n3A_263, %select_n3A_295 : vector<16xi1>, vector<16xi32>
      %add3A_303 = arith.addi %select_n3A_301, %select_n3A_302 : vector<16xi32>
      %jit3A_304 = arith.constant 2 : i32
      %div3A_305 = vector.broadcast %jit3A_304 : i32 to vector<16xi32>
      %div3A_306 = arith.divsi %add3A_303, %div3A_305 : vector<16xi32>
      %sign3A_307 = arith.constant 0 : i32
      %sign3A_308 = vector.broadcast %sign3A_307 : i32 to vector<16xi32>
      %sign3A_309 = arith.cmpi sgt, %add3A_303, %sign3A_308 : vector<16xi32>
      %sign3A_310 = arith.extui %sign3A_309 : vector<16xi1> to vector<16xi32>
      %sign3A_311 = arith.constant 0 : i32
      %sign3A_312 = vector.broadcast %sign3A_311 : i32 to vector<16xi32>
      %sign3A_313 = arith.cmpi slt, %add3A_303, %sign3A_312 : vector<16xi32>
      %sign3A_314 = arith.extui %sign3A_313 : vector<16xi1> to vector<16xi32>
      %sign3A_315 = arith.subi %sign3A_310, %sign3A_314 : vector<16xi32>
      %sign3A_316 = arith.constant 0 : i32
      %sign3A_317 = arith.cmpi sgt, %jit3A_304, %sign3A_316 : i32
      %sign3A_318 = arith.extui %sign3A_317 : i1 to i32
      %sign3A_319 = arith.constant 0 : i32
      %sign3A_320 = arith.cmpi slt, %jit3A_304, %sign3A_319 : i32
      %sign3A_321 = arith.extui %sign3A_320 : i1 to i32
      %sign3A_322 = arith.subi %sign3A_318, %sign3A_321 : i32
      %ne3A_323 = vector.broadcast %sign3A_322 : i32 to vector<16xi32>
      %ne3A_324 = arith.cmpi ne, %sign3A_315, %ne3A_323 : vector<16xi32>
      %rem3A_325 = vector.broadcast %jit3A_304 : i32 to vector<16xi32>
      %rem3A_326 = arith.remsi %add3A_303, %rem3A_325 : vector<16xi32>
      %ne3A_327 = arith.constant 0 : i32
      %ne3A_328 = vector.broadcast %ne3A_327 : i32 to vector<16xi32>
      %ne3A_329 = arith.cmpi ne, %rem3A_326, %ne3A_328 : vector<16xi32>
      %and3A_330 = arith.andi %ne3A_324, %ne3A_329 : vector<16xi1>
      %sub3A_331 = arith.constant 1 : i32
      %sub3A_332 = vector.broadcast %sub3A_331 : i32 to vector<16xi32>
      %sub3A_333 = arith.subi %div3A_306, %sub3A_332 : vector<16xi32>
      %select_n3A_334 = arith.select %and3A_330, %sub3A_333, %div3A_306 : vector<16xi1>, vector<16xi32>
      %gather3A_335 = tpu.vector_load_idx %arg10[%select_n3A_334] : memref<4112xi32, #tpu.memory_space<vmem>>[vector<16xi32>], vector<16xi32>,
      %lt3A_336 = arith.cmpi slt, %gather3A_335, %add3A_35 : vector<16xi32>
      %add3A_337 = arith.constant 1 : i32
      %add3A_338 = vector.broadcast %add3A_337 : i32 to vector<16xi32>
      %add3A_339 = arith.addi %select_n3A_334, %add3A_338 : vector<16xi32>
      %select_n3A_340 = arith.select %lt3A_336, %add3A_339, %select_n3A_301 : vector<16xi1>, vector<16xi32>
      %select_n3A_341 = arith.select %lt3A_336, %select_n3A_302, %select_n3A_334 : vector<16xi1>, vector<16xi32>
      %add3A_342 = arith.addi %select_n3A_340, %select_n3A_341 : vector<16xi32>
      %jit3A_343 = arith.constant 2 : i32
      %div3A_344 = vector.broadcast %jit3A_343 : i32 to vector<16xi32>
      %div3A_345 = arith.divsi %add3A_342, %div3A_344 : vector<16xi32>
      %sign3A_346 = arith.constant 0 : i32
      %sign3A_347 = vector.broadcast %sign3A_346 : i32 to vector<16xi32>
      %sign3A_348 = arith.cmpi sgt, %add3A_342, %sign3A_347 : vector<16xi32>
      %sign3A_349 = arith.extui %sign3A_348 : vector<16xi1> to vector<16xi32>
      %sign3A_350 = arith.constant 0 : i32
      %sign3A_351 = vector.broadcast %sign3A_350 : i32 to vector<16xi32>
      %sign3A_352 = arith.cmpi slt, %add3A_342, %sign3A_351 : vector<16xi32>
      %sign3A_353 = arith.extui %sign3A_352 : vector<16xi1> to vector<16xi32>
      %sign3A_354 = arith.subi %sign3A_349, %sign3A_353 : vector<16xi32>
      %sign3A_355 = arith.constant 0 : i32
      %sign3A_356 = arith.cmpi sgt, %jit3A_343, %sign3A_355 : i32
      %sign3A_357 = arith.extui %sign3A_356 : i1 to i32
      %sign3A_358 = arith.constant 0 : i32
      %sign3A_359 = arith.cmpi slt, %jit3A_343, %sign3A_358 : i32
      %sign3A_360 = arith.extui %sign3A_359 : i1 to i32
      %sign3A_361 = arith.subi %sign3A_357, %sign3A_360 : i32
      %ne3A_362 = vector.broadcast %sign3A_361 : i32 to vector<16xi32>
      %ne3A_363 = arith.cmpi ne, %sign3A_354, %ne3A_362 : vector<16xi32>
      %rem3A_364 = vector.broadcast %jit3A_343 : i32 to vector<16xi32>
      %rem3A_365 = arith.remsi %add3A_342, %rem3A_364 : vector<16xi32>
      %ne3A_366 = arith.constant 0 : i32
      %ne3A_367 = vector.broadcast %ne3A_366 : i32 to vector<16xi32>
      %ne3A_368 = arith.cmpi ne, %rem3A_365, %ne3A_367 : vector<16xi32>
      %and3A_369 = arith.andi %ne3A_363, %ne3A_368 : vector<16xi1>
      %sub3A_370 = arith.constant 1 : i32
      %sub3A_371 = vector.broadcast %sub3A_370 : i32 to vector<16xi32>
      %sub3A_372 = arith.subi %div3A_345, %sub3A_371 : vector<16xi32>
      %select_n3A_373 = arith.select %and3A_369, %sub3A_372, %div3A_345 : vector<16xi1>, vector<16xi32>
      %gather3A_374 = tpu.vector_load_idx %arg10[%select_n3A_373] : memref<4112xi32, #tpu.memory_space<vmem>>[vector<16xi32>], vector<16xi32>,
      %lt3A_375 = arith.cmpi slt, %gather3A_374, %add3A_35 : vector<16xi32>
      %add3A_376 = arith.constant 1 : i32
      %add3A_377 = vector.broadcast %add3A_376 : i32 to vector<16xi32>
      %add3A_378 = arith.addi %select_n3A_373, %add3A_377 : vector<16xi32>
      %select_n3A_379 = arith.select %lt3A_375, %add3A_378, %select_n3A_340 : vector<16xi1>, vector<16xi32>
      %select_n3A_380 = arith.select %lt3A_375, %select_n3A_341, %select_n3A_373 : vector<16xi1>, vector<16xi32>
      %add3A_381 = arith.addi %select_n3A_379, %select_n3A_380 : vector<16xi32>
      %jit3A_382 = arith.constant 2 : i32
      %div3A_383 = vector.broadcast %jit3A_382 : i32 to vector<16xi32>
      %div3A_384 = arith.divsi %add3A_381, %div3A_383 : vector<16xi32>
      %sign3A_385 = arith.constant 0 : i32
      %sign3A_386 = vector.broadcast %sign3A_385 : i32 to vector<16xi32>
      %sign3A_387 = arith.cmpi sgt, %add3A_381, %sign3A_386 : vector<16xi32>
      %sign3A_388 = arith.extui %sign3A_387 : vector<16xi1> to vector<16xi32>
      %sign3A_389 = arith.constant 0 : i32
      %sign3A_390 = vector.broadcast %sign3A_389 : i32 to vector<16xi32>
      %sign3A_391 = arith.cmpi slt, %add3A_381, %sign3A_390 : vector<16xi32>
      %sign3A_392 = arith.extui %sign3A_391 : vector<16xi1> to vector<16xi32>
      %sign3A_393 = arith.subi %sign3A_388, %sign3A_392 : vector<16xi32>
      %sign3A_394 = arith.constant 0 : i32
      %sign3A_395 = arith.cmpi sgt, %jit3A_382, %sign3A_394 : i32
      %sign3A_396 = arith.extui %sign3A_395 : i1 to i32
      %sign3A_397 = arith.constant 0 : i32
      %sign3A_398 = arith.cmpi slt, %jit3A_382, %sign3A_397 : i32
      %sign3A_399 = arith.extui %sign3A_398 : i1 to i32
      %sign3A_400 = arith.subi %sign3A_396, %sign3A_399 : i32
      %ne3A_401 = vector.broadcast %sign3A_400 : i32 to vector<16xi32>
      %ne3A_402 = arith.cmpi ne, %sign3A_393, %ne3A_401 : vector<16xi32>
      %rem3A_403 = vector.broadcast %jit3A_382 : i32 to vector<16xi32>
      %rem3A_404 = arith.remsi %add3A_381, %rem3A_403 : vector<16xi32>
      %ne3A_405 = arith.constant 0 : i32
      %ne3A_406 = vector.broadcast %ne3A_405 : i32 to vector<16xi32>
      %ne3A_407 = arith.cmpi ne, %rem3A_404, %ne3A_406 : vector<16xi32>
      %and3A_408 = arith.andi %ne3A_402, %ne3A_407 : vector<16xi1>
      %sub3A_409 = arith.constant 1 : i32
      %sub3A_410 = vector.broadcast %sub3A_409 : i32 to vector<16xi32>
      %sub3A_411 = arith.subi %div3A_384, %sub3A_410 : vector<16xi32>
      %select_n3A_412 = arith.select %and3A_408, %sub3A_411, %div3A_384 : vector<16xi1>, vector<16xi32>
      %gather3A_413 = tpu.vector_load_idx %arg10[%select_n3A_412] : memref<4112xi32, #tpu.memory_space<vmem>>[vector<16xi32>], vector<16xi32>,
      %lt3A_414 = arith.cmpi slt, %gather3A_413, %add3A_35 : vector<16xi32>
      %add3A_415 = arith.constant 1 : i32
      %add3A_416 = vector.broadcast %add3A_415 : i32 to vector<16xi32>
      %add3A_417 = arith.addi %select_n3A_412, %add3A_416 : vector<16xi32>
      %select_n3A_418 = arith.select %lt3A_414, %add3A_417, %select_n3A_379 : vector<16xi1>, vector<16xi32>
      %select_n3A_419 = arith.select %lt3A_414, %select_n3A_380, %select_n3A_412 : vector<16xi1>, vector<16xi32>
      %add3A_420 = arith.addi %select_n3A_418, %select_n3A_419 : vector<16xi32>
      %jit3A_421 = arith.constant 2 : i32
      %div3A_422 = vector.broadcast %jit3A_421 : i32 to vector<16xi32>
      %div3A_423 = arith.divsi %add3A_420, %div3A_422 : vector<16xi32>
      %sign3A_424 = arith.constant 0 : i32
      %sign3A_425 = vector.broadcast %sign3A_424 : i32 to vector<16xi32>
      %sign3A_426 = arith.cmpi sgt, %add3A_420, %sign3A_425 : vector<16xi32>
      %sign3A_427 = arith.extui %sign3A_426 : vector<16xi1> to vector<16xi32>
      %sign3A_428 = arith.constant 0 : i32
      %sign3A_429 = vector.broadcast %sign3A_428 : i32 to vector<16xi32>
      %sign3A_430 = arith.cmpi slt, %add3A_420, %sign3A_429 : vector<16xi32>
      %sign3A_431 = arith.extui %sign3A_430 : vector<16xi1> to vector<16xi32>
      %sign3A_432 = arith.subi %sign3A_427, %sign3A_431 : vector<16xi32>
      %sign3A_433 = arith.constant 0 : i32
      %sign3A_434 = arith.cmpi sgt, %jit3A_421, %sign3A_433 : i32
      %sign3A_435 = arith.extui %sign3A_434 : i1 to i32
      %sign3A_436 = arith.constant 0 : i32
      %sign3A_437 = arith.cmpi slt, %jit3A_421, %sign3A_436 : i32
      %sign3A_438 = arith.extui %sign3A_437 : i1 to i32
      %sign3A_439 = arith.subi %sign3A_435, %sign3A_438 : i32
      %ne3A_440 = vector.broadcast %sign3A_439 : i32 to vector<16xi32>
      %ne3A_441 = arith.cmpi ne, %sign3A_432, %ne3A_440 : vector<16xi32>
      %rem3A_442 = vector.broadcast %jit3A_421 : i32 to vector<16xi32>
      %rem3A_443 = arith.remsi %add3A_420, %rem3A_442 : vector<16xi32>
      %ne3A_444 = arith.constant 0 : i32
      %ne3A_445 = vector.broadcast %ne3A_444 : i32 to vector<16xi32>
      %ne3A_446 = arith.cmpi ne, %rem3A_443, %ne3A_445 : vector<16xi32>
      %and3A_447 = arith.andi %ne3A_441, %ne3A_446 : vector<16xi1>
      %sub3A_448 = arith.constant 1 : i32
      %sub3A_449 = vector.broadcast %sub3A_448 : i32 to vector<16xi32>
      %sub3A_450 = arith.subi %div3A_423, %sub3A_449 : vector<16xi32>
      %select_n3A_451 = arith.select %and3A_447, %sub3A_450, %div3A_423 : vector<16xi1>, vector<16xi32>
      %gather3A_452 = tpu.vector_load_idx %arg10[%select_n3A_451] : memref<4112xi32, #tpu.memory_space<vmem>>[vector<16xi32>], vector<16xi32>,
      %lt3A_453 = arith.cmpi slt, %gather3A_452, %add3A_35 : vector<16xi32>
      %add3A_454 = arith.constant 1 : i32
      %add3A_455 = vector.broadcast %add3A_454 : i32 to vector<16xi32>
      %add3A_456 = arith.addi %select_n3A_451, %add3A_455 : vector<16xi32>
      %select_n3A_457 = arith.select %lt3A_453, %add3A_456, %select_n3A_418 : vector<16xi1>, vector<16xi32>
      %select_n3A_458 = arith.select %lt3A_453, %select_n3A_419, %select_n3A_451 : vector<16xi1>, vector<16xi32>
      %add3A_459 = arith.addi %select_n3A_457, %select_n3A_458 : vector<16xi32>
      %jit3A_460 = arith.constant 2 : i32
      %div3A_461 = vector.broadcast %jit3A_460 : i32 to vector<16xi32>
      %div3A_462 = arith.divsi %add3A_459, %div3A_461 : vector<16xi32>
      %sign3A_463 = arith.constant 0 : i32
      %sign3A_464 = vector.broadcast %sign3A_463 : i32 to vector<16xi32>
      %sign3A_465 = arith.cmpi sgt, %add3A_459, %sign3A_464 : vector<16xi32>
      %sign3A_466 = arith.extui %sign3A_465 : vector<16xi1> to vector<16xi32>
      %sign3A_467 = arith.constant 0 : i32
      %sign3A_468 = vector.broadcast %sign3A_467 : i32 to vector<16xi32>
      %sign3A_469 = arith.cmpi slt, %add3A_459, %sign3A_468 : vector<16xi32>
      %sign3A_470 = arith.extui %sign3A_469 : vector<16xi1> to vector<16xi32>
      %sign3A_471 = arith.subi %sign3A_466, %sign3A_470 : vector<16xi32>
      %sign3A_472 = arith.constant 0 : i32
      %sign3A_473 = arith.cmpi sgt, %jit3A_460, %sign3A_472 : i32
      %sign3A_474 = arith.extui %sign3A_473 : i1 to i32
      %sign3A_475 = arith.constant 0 : i32
      %sign3A_476 = arith.cmpi slt, %jit3A_460, %sign3A_475 : i32
      %sign3A_477 = arith.extui %sign3A_476 : i1 to i32
      %sign3A_478 = arith.subi %sign3A_474, %sign3A_477 : i32
      %ne3A_479 = vector.broadcast %sign3A_478 : i32 to vector<16xi32>
      %ne3A_480 = arith.cmpi ne, %sign3A_471, %ne3A_479 : vector<16xi32>
      %rem3A_481 = vector.broadcast %jit3A_460 : i32 to vector<16xi32>
      %rem3A_482 = arith.remsi %add3A_459, %rem3A_481 : vector<16xi32>
      %ne3A_483 = arith.constant 0 : i32
      %ne3A_484 = vector.broadcast %ne3A_483 : i32 to vector<16xi32>
      %ne3A_485 = arith.cmpi ne, %rem3A_482, %ne3A_484 : vector<16xi32>
      %and3A_486 = arith.andi %ne3A_480, %ne3A_485 : vector<16xi1>
      %sub3A_487 = arith.constant 1 : i32
      %sub3A_488 = vector.broadcast %sub3A_487 : i32 to vector<16xi32>
      %sub3A_489 = arith.subi %div3A_462, %sub3A_488 : vector<16xi32>
      %select_n3A_490 = arith.select %and3A_486, %sub3A_489, %div3A_462 : vector<16xi1>, vector<16xi32>
      %gather3A_491 = tpu.vector_load_idx %arg10[%select_n3A_490] : memref<4112xi32, #tpu.memory_space<vmem>>[vector<16xi32>], vector<16xi32>,
      %lt3A_492 = arith.cmpi slt, %gather3A_491, %add3A_35 : vector<16xi32>
      %add3A_493 = arith.constant 1 : i32
      %add3A_494 = vector.broadcast %add3A_493 : i32 to vector<16xi32>
      %add3A_495 = arith.addi %select_n3A_490, %add3A_494 : vector<16xi32>
      %select_n3A_496 = arith.select %lt3A_492, %add3A_495, %select_n3A_457 : vector<16xi1>, vector<16xi32>
      %select_n3A_497 = arith.select %lt3A_492, %select_n3A_458, %select_n3A_490 : vector<16xi1>, vector<16xi32>
      %sub3A_498 = arith.subi %select_n3A_496, %add3A_31 : vector<16xi32>
      %sub3A_499 = arith.constant 1 : i32
      %sub3A_500 = vector.broadcast %sub3A_499 : i32 to vector<16xi32>
      %sub3A_501 = arith.subi %sub3A_498, %sub3A_500 : vector<16xi32>
      %reduce_max3A = arith.constant true
      %reduce_max3A_502 = vector.broadcast %reduce_max3A : i1 to vector<16xi1>
      %reduce_max3A_503 = arith.constant -2147483648 : i32
      %reduce_max3A_504 = vector.broadcast %reduce_max3A_503 : i32 to vector<16xi32>
      %reduce_max3A_505 = arith.xori %sub3A_501, %reduce_max3A_504 : vector<16xi32>
      %reduce_max3A_506 = tpu.scan <max>, %reduce_max3A_505 masked %reduce_max3A_502 : vector<16xi32>, vector<16xi1> -> vector<16xi32>
      %reduce_max3A_507 = arith.xori %reduce_max3A_506, %reduce_max3A_504 : vector<16xi32>
      %reduce_max3A_508 = vector.extract %reduce_max3A_507[15] : i32 from vector<16xi32>
      %get3A_509 = arith.index_cast %mul3A_29 : i32 to index
      %get3A_510 = tpu.vector_load %arg7[%get3A_509] {strides = array<i32>} : memref<4112xf32, #tpu.memory_space<vmem>>, vector<16xf32>,
      %get3A_511 = arith.index_cast %mul3A_29 : i32 to index
      %get3A_512 = tpu.vector_load %arg8[%get3A_511] {strides = array<i32>} : memref<4112xf32, #tpu.memory_space<vmem>>, vector<16xf32>,
      %get3A_513 = arith.index_cast %mul3A_29 : i32 to index
      %get3A_514 = tpu.vector_load %arg9[%get3A_513] {strides = array<i32>} : memref<4112xf32, #tpu.memory_space<vmem>>, vector<16xf32>,
      %mul3A_515 = arith.constant 64 : i32
      %mul3A_516 = vector.broadcast %mul3A_515 : i32 to vector<16xi32>
      %mul3A_517 = arith.muli %get3A_32, %mul3A_516 : vector<16xi32>
      %add3A_518 = arith.addi %mul3A_14, %mul3A_517 : vector<16xi32>
      %parallel_loop3A_519 = arith.constant 0 : i32
      %parallel_loop3A_520 = arith.constant 1 : i32
      scf.for %parallel_loop3A_521 = %parallel_loop3A_519 to %reduce_max3A_508 step %parallel_loop3A_520  : i32 {
        %parallel_loop3A_522 = arith.addi %mul3A_29, %parallel_loop3A_521 : i32
        %parallel_loop3A_523 = arith.constant 1 : i32
        %parallel_loop3A_524 = arith.addi %parallel_loop3A_522, %parallel_loop3A_523 : i32
        %parallel_loop3A_525 = arith.index_cast %parallel_loop3A_524 : i32 to index
        %parallel_loop3A_526 = tpu.vector_load %arg7[%parallel_loop3A_525] {strides = array<i32>} : memref<4112xf32, #tpu.memory_space<vmem>>, vector<16xf32>,
        %parallel_loop3A_527 = arith.subf %get3A_510, %parallel_loop3A_526 : vector<16xf32>
        %parallel_loop3A_528 = arith.index_cast %parallel_loop3A_524 : i32 to index
        %parallel_loop3A_529 = tpu.vector_load %arg8[%parallel_loop3A_528] {strides = array<i32>} : memref<4112xf32, #tpu.memory_space<vmem>>, vector<16xf32>,
        %parallel_loop3A_530 = arith.subf %get3A_512, %parallel_loop3A_529 : vector<16xf32>
        %parallel_loop3A_531 = arith.index_cast %parallel_loop3A_524 : i32 to index
        %parallel_loop3A_532 = tpu.vector_load %arg9[%parallel_loop3A_531] {strides = array<i32>} : memref<4112xf32, #tpu.memory_space<vmem>>, vector<16xf32>,
        %parallel_loop3A_533 = arith.subf %get3A_514, %parallel_loop3A_532 : vector<16xf32>
        %parallel_loop3A_534 = arith.mulf %parallel_loop3A_527, %parallel_loop3A_527 : vector<16xf32>
        %parallel_loop3A_535 = arith.mulf %parallel_loop3A_530, %parallel_loop3A_530 : vector<16xf32>
        %parallel_loop3A_536 = arith.addf %parallel_loop3A_534, %parallel_loop3A_535 : vector<16xf32>
        %parallel_loop3A_537 = arith.mulf %parallel_loop3A_533, %parallel_loop3A_533 : vector<16xf32>
        %parallel_loop3A_538 = arith.addf %parallel_loop3A_536, %parallel_loop3A_537 : vector<16xf32>
        %parallel_loop3A_539 = arith.constant 6.553600e+00 : f32
        %parallel_loop3A_540 = vector.broadcast %parallel_loop3A_539 : f32 to vector<16xf32>
        %parallel_loop3A_541 = arith.mulf %parallel_loop3A_538, %parallel_loop3A_540 : vector<16xf32>
        %parallel_loop3A_542 = arith.fptosi %parallel_loop3A_541 : vector<16xf32> to vector<16xi32>
        %parallel_loop3A_543 = arith.constant 4096 : i32
        %parallel_loop3A_544 = vector.broadcast %parallel_loop3A_543 : i32 to vector<16xi32>
        %parallel_loop3A_545 = arith.minsi %parallel_loop3A_542, %parallel_loop3A_544 : vector<16xi32>
        %parallel_loop3A_546 = tpu.vector_load_idx %arg11[%parallel_loop3A_545] : memref<4112xi32, #tpu.memory_space<vmem>>[vector<16xi32>], vector<16xi32>,
        %parallel_loop3A_547 = vector.broadcast %parallel_loop3A_521 : i32 to vector<16xi32>
        %parallel_loop3A_548 = arith.cmpi slt, %parallel_loop3A_547, %sub3A_501 : vector<16xi32>
        %parallel_loop3A_549 = arith.constant 6.250000e+02 : f32
        %parallel_loop3A_550 = vector.broadcast %parallel_loop3A_549 : f32 to vector<16xf32>
        %parallel_loop3A_551 = arith.cmpf ole, %parallel_loop3A_538, %parallel_loop3A_550 : vector<16xf32>
        %parallel_loop3A_552 = arith.andi %parallel_loop3A_548, %parallel_loop3A_551 : vector<16xi1>
        %parallel_loop3A_553 = arith.addi %add3A_518, %parallel_loop3A_546 : vector<16xi32>
        tpu.vector_store_idx %arg12[%parallel_loop3A_553], %broadcast_in_dim3A_16 masked %parallel_loop3A_552 {add = true} : memref<16384xf32, #tpu.memory_space<vmem>>[vector<16xi32>], vector<16xf32>, vector<16xi1>
      } {sc.loop_unroll_factor = 8 : i64, sc.parallel_access}
    }
    %scan3A_20 = arith.constant 8 : i32
    %parallel_loop3A_21 = arith.constant 0 : i32
    %parallel_loop3A_22 = arith.constant 64 : i32
    %parallel_loop3A_23 = arith.constant 1 : i32
    scf.for %parallel_loop3A_24 = %parallel_loop3A_21 to %parallel_loop3A_22 step %parallel_loop3A_23  : i32 {
      %parallel_loop3A_25 = arith.constant 16 : i32
      %parallel_loop3A_26 = arith.muli %parallel_loop3A_24, %parallel_loop3A_25 : i32
      %parallel_loop3A_27 = arith.index_cast %parallel_loop3A_26 : i32 to index
      %parallel_loop3A_28 = tpu.vector_load %arg12[%parallel_loop3A_27] {strides = array<i32>} : memref<16384xf32, #tpu.memory_space<vmem>>, vector<16xf32>,
      %parallel_loop3A_29 = arith.constant 16 : i32
      %parallel_loop3A_30 = arith.muli %parallel_loop3A_24, %parallel_loop3A_29 : i32
      %parallel_loop3A_31 = arith.constant 1024 : i32
      %parallel_loop3A_32 = arith.addi %parallel_loop3A_31, %parallel_loop3A_30 : i32
      %parallel_loop3A_33 = arith.index_cast %parallel_loop3A_32 : i32 to index
      %parallel_loop3A_34 = tpu.vector_load %arg12[%parallel_loop3A_33] {strides = array<i32>} : memref<16384xf32, #tpu.memory_space<vmem>>, vector<16xf32>,
      %parallel_loop3A_35 = arith.addf %parallel_loop3A_28, %parallel_loop3A_34 : vector<16xf32>
      %parallel_loop3A_36 = arith.constant 16 : i32
      %parallel_loop3A_37 = arith.muli %parallel_loop3A_24, %parallel_loop3A_36 : i32
      %parallel_loop3A_38 = arith.constant 2048 : i32
      %parallel_loop3A_39 = arith.addi %parallel_loop3A_38, %parallel_loop3A_37 : i32
      %parallel_loop3A_40 = arith.index_cast %parallel_loop3A_39 : i32 to index
      %parallel_loop3A_41 = tpu.vector_load %arg12[%parallel_loop3A_40] {strides = array<i32>} : memref<16384xf32, #tpu.memory_space<vmem>>, vector<16xf32>,
      %parallel_loop3A_42 = arith.addf %parallel_loop3A_35, %parallel_loop3A_41 : vector<16xf32>
      %parallel_loop3A_43 = arith.constant 16 : i32
      %parallel_loop3A_44 = arith.muli %parallel_loop3A_24, %parallel_loop3A_43 : i32
      %parallel_loop3A_45 = arith.constant 3072 : i32
      %parallel_loop3A_46 = arith.addi %parallel_loop3A_45, %parallel_loop3A_44 : i32
      %parallel_loop3A_47 = arith.index_cast %parallel_loop3A_46 : i32 to index
      %parallel_loop3A_48 = tpu.vector_load %arg12[%parallel_loop3A_47] {strides = array<i32>} : memref<16384xf32, #tpu.memory_space<vmem>>, vector<16xf32>,
      %parallel_loop3A_49 = arith.addf %parallel_loop3A_42, %parallel_loop3A_48 : vector<16xf32>
      %parallel_loop3A_50 = arith.constant 16 : i32
      %parallel_loop3A_51 = arith.muli %parallel_loop3A_24, %parallel_loop3A_50 : i32
      %parallel_loop3A_52 = arith.constant 4096 : i32
      %parallel_loop3A_53 = arith.addi %parallel_loop3A_52, %parallel_loop3A_51 : i32
      %parallel_loop3A_54 = arith.index_cast %parallel_loop3A_53 : i32 to index
      %parallel_loop3A_55 = tpu.vector_load %arg12[%parallel_loop3A_54] {strides = array<i32>} : memref<16384xf32, #tpu.memory_space<vmem>>, vector<16xf32>,
      %parallel_loop3A_56 = arith.addf %parallel_loop3A_49, %parallel_loop3A_55 : vector<16xf32>
      %parallel_loop3A_57 = arith.constant 16 : i32
      %parallel_loop3A_58 = arith.muli %parallel_loop3A_24, %parallel_loop3A_57 : i32
      %parallel_loop3A_59 = arith.constant 5120 : i32
      %parallel_loop3A_60 = arith.addi %parallel_loop3A_59, %parallel_loop3A_58 : i32
      %parallel_loop3A_61 = arith.index_cast %parallel_loop3A_60 : i32 to index
      %parallel_loop3A_62 = tpu.vector_load %arg12[%parallel_loop3A_61] {strides = array<i32>} : memref<16384xf32, #tpu.memory_space<vmem>>, vector<16xf32>,
      %parallel_loop3A_63 = arith.addf %parallel_loop3A_56, %parallel_loop3A_62 : vector<16xf32>
      %parallel_loop3A_64 = arith.constant 16 : i32
      %parallel_loop3A_65 = arith.muli %parallel_loop3A_24, %parallel_loop3A_64 : i32
      %parallel_loop3A_66 = arith.constant 6144 : i32
      %parallel_loop3A_67 = arith.addi %parallel_loop3A_66, %parallel_loop3A_65 : i32
      %parallel_loop3A_68 = arith.index_cast %parallel_loop3A_67 : i32 to index
      %parallel_loop3A_69 = tpu.vector_load %arg12[%parallel_loop3A_68] {strides = array<i32>} : memref<16384xf32, #tpu.memory_space<vmem>>, vector<16xf32>,
      %parallel_loop3A_70 = arith.addf %parallel_loop3A_63, %parallel_loop3A_69 : vector<16xf32>
      %parallel_loop3A_71 = arith.constant 16 : i32
      %parallel_loop3A_72 = arith.muli %parallel_loop3A_24, %parallel_loop3A_71 : i32
      %parallel_loop3A_73 = arith.constant 7168 : i32
      %parallel_loop3A_74 = arith.addi %parallel_loop3A_73, %parallel_loop3A_72 : i32
      %parallel_loop3A_75 = arith.index_cast %parallel_loop3A_74 : i32 to index
      %parallel_loop3A_76 = tpu.vector_load %arg12[%parallel_loop3A_75] {strides = array<i32>} : memref<16384xf32, #tpu.memory_space<vmem>>, vector<16xf32>,
      %parallel_loop3A_77 = arith.addf %parallel_loop3A_70, %parallel_loop3A_76 : vector<16xf32>
      %parallel_loop3A_78 = arith.constant 16 : i32
      %parallel_loop3A_79 = arith.muli %parallel_loop3A_24, %parallel_loop3A_78 : i32
      %parallel_loop3A_80 = arith.constant 8192 : i32
      %parallel_loop3A_81 = arith.addi %parallel_loop3A_80, %parallel_loop3A_79 : i32
      %parallel_loop3A_82 = arith.index_cast %parallel_loop3A_81 : i32 to index
      %parallel_loop3A_83 = tpu.vector_load %arg12[%parallel_loop3A_82] {strides = array<i32>} : memref<16384xf32, #tpu.memory_space<vmem>>, vector<16xf32>,
      %parallel_loop3A_84 = arith.addf %parallel_loop3A_77, %parallel_loop3A_83 : vector<16xf32>
      %parallel_loop3A_85 = arith.constant 16 : i32
      %parallel_loop3A_86 = arith.muli %parallel_loop3A_24, %parallel_loop3A_85 : i32
      %parallel_loop3A_87 = arith.constant 9216 : i32
      %parallel_loop3A_88 = arith.addi %parallel_loop3A_87, %parallel_loop3A_86 : i32
      %parallel_loop3A_89 = arith.index_cast %parallel_loop3A_88 : i32 to index
      %parallel_loop3A_90 = tpu.vector_load %arg12[%parallel_loop3A_89] {strides = array<i32>} : memref<16384xf32, #tpu.memory_space<vmem>>, vector<16xf32>,
      %parallel_loop3A_91 = arith.addf %parallel_loop3A_84, %parallel_loop3A_90 : vector<16xf32>
      %parallel_loop3A_92 = arith.constant 16 : i32
      %parallel_loop3A_93 = arith.muli %parallel_loop3A_24, %parallel_loop3A_92 : i32
      %parallel_loop3A_94 = arith.constant 10240 : i32
      %parallel_loop3A_95 = arith.addi %parallel_loop3A_94, %parallel_loop3A_93 : i32
      %parallel_loop3A_96 = arith.index_cast %parallel_loop3A_95 : i32 to index
      %parallel_loop3A_97 = tpu.vector_load %arg12[%parallel_loop3A_96] {strides = array<i32>} : memref<16384xf32, #tpu.memory_space<vmem>>, vector<16xf32>,
      %parallel_loop3A_98 = arith.addf %parallel_loop3A_91, %parallel_loop3A_97 : vector<16xf32>
      %parallel_loop3A_99 = arith.constant 16 : i32
      %parallel_loop3A_100 = arith.muli %parallel_loop3A_24, %parallel_loop3A_99 : i32
      %parallel_loop3A_101 = arith.constant 11264 : i32
      %parallel_loop3A_102 = arith.addi %parallel_loop3A_101, %parallel_loop3A_100 : i32
      %parallel_loop3A_103 = arith.index_cast %parallel_loop3A_102 : i32 to index
      %parallel_loop3A_104 = tpu.vector_load %arg12[%parallel_loop3A_103] {strides = array<i32>} : memref<16384xf32, #tpu.memory_space<vmem>>, vector<16xf32>,
      %parallel_loop3A_105 = arith.addf %parallel_loop3A_98, %parallel_loop3A_104 : vector<16xf32>
      %parallel_loop3A_106 = arith.constant 16 : i32
      %parallel_loop3A_107 = arith.muli %parallel_loop3A_24, %parallel_loop3A_106 : i32
      %parallel_loop3A_108 = arith.constant 12288 : i32
      %parallel_loop3A_109 = arith.addi %parallel_loop3A_108, %parallel_loop3A_107 : i32
      %parallel_loop3A_110 = arith.index_cast %parallel_loop3A_109 : i32 to index
      %parallel_loop3A_111 = tpu.vector_load %arg12[%parallel_loop3A_110] {strides = array<i32>} : memref<16384xf32, #tpu.memory_space<vmem>>, vector<16xf32>,
      %parallel_loop3A_112 = arith.addf %parallel_loop3A_105, %parallel_loop3A_111 : vector<16xf32>
      %parallel_loop3A_113 = arith.constant 16 : i32
      %parallel_loop3A_114 = arith.muli %parallel_loop3A_24, %parallel_loop3A_113 : i32
      %parallel_loop3A_115 = arith.constant 13312 : i32
      %parallel_loop3A_116 = arith.addi %parallel_loop3A_115, %parallel_loop3A_114 : i32
      %parallel_loop3A_117 = arith.index_cast %parallel_loop3A_116 : i32 to index
      %parallel_loop3A_118 = tpu.vector_load %arg12[%parallel_loop3A_117] {strides = array<i32>} : memref<16384xf32, #tpu.memory_space<vmem>>, vector<16xf32>,
      %parallel_loop3A_119 = arith.addf %parallel_loop3A_112, %parallel_loop3A_118 : vector<16xf32>
      %parallel_loop3A_120 = arith.constant 16 : i32
      %parallel_loop3A_121 = arith.muli %parallel_loop3A_24, %parallel_loop3A_120 : i32
      %parallel_loop3A_122 = arith.constant 14336 : i32
      %parallel_loop3A_123 = arith.addi %parallel_loop3A_122, %parallel_loop3A_121 : i32
      %parallel_loop3A_124 = arith.index_cast %parallel_loop3A_123 : i32 to index
      %parallel_loop3A_125 = tpu.vector_load %arg12[%parallel_loop3A_124] {strides = array<i32>} : memref<16384xf32, #tpu.memory_space<vmem>>, vector<16xf32>,
      %parallel_loop3A_126 = arith.addf %parallel_loop3A_119, %parallel_loop3A_125 : vector<16xf32>
      %parallel_loop3A_127 = arith.constant 16 : i32
      %parallel_loop3A_128 = arith.muli %parallel_loop3A_24, %parallel_loop3A_127 : i32
      %parallel_loop3A_129 = arith.constant 15360 : i32
      %parallel_loop3A_130 = arith.addi %parallel_loop3A_129, %parallel_loop3A_128 : i32
      %parallel_loop3A_131 = arith.index_cast %parallel_loop3A_130 : i32 to index
      %parallel_loop3A_132 = tpu.vector_load %arg12[%parallel_loop3A_131] {strides = array<i32>} : memref<16384xf32, #tpu.memory_space<vmem>>, vector<16xf32>,
      %parallel_loop3A_133 = arith.addf %parallel_loop3A_126, %parallel_loop3A_132 : vector<16xf32>
      %parallel_loop3A_134 = arith.constant 16 : i32
      %parallel_loop3A_135 = arith.muli %parallel_loop3A_24, %parallel_loop3A_134 : i32
      %parallel_loop3A_136 = arith.index_cast %parallel_loop3A_135 : i32 to index
      %parallel_loop3A_137 = tpu.vector_load %arg13[%parallel_loop3A_136] {strides = array<i32>} : memref<1024xf32, #tpu.memory_space<vmem>>, vector<16xf32>,
      tpu.vector_store %arg13[%parallel_loop3A_136], %parallel_loop3A_133 {strides = array<i32>} : memref<1024xf32, #tpu.memory_space<vmem>>, vector<16xf32>,
    } {sc.loop_unroll_factor = 2 : i64, sc.parallel_access}
    "tpu.region"() ({
      %run_scoped3A = tpu.sem_alloc : memref<!tpu.dma_semaphore, #tpu.memory_space<semaphore_mem>>
      %dma_start3A = arith.constant 0 : i32
      %dma_start3A_24 = tpu.memref_slice %arg5[%add3A, %dma_start3A] : memref<32x1024xf32, #tpu.memory_space<hbm>> -> memref<1x1024xf32, #tpu.memory_space<hbm>>
      %dma_start3A_25 = tpu.memref_squeeze %dma_start3A_24 : memref<1x1024xf32, #tpu.memory_space<hbm>> -> memref<1024xf32, #tpu.memory_space<hbm>>
      %dma_start3A_26 = arith.constant 0 : i32
      %dma_start3A_27 = tpu.memref_slice %arg5[%add3A, %dma_start3A_26] : memref<32x1024xf32, #tpu.memory_space<hbm>> -> memref<1x1024xf32, #tpu.memory_space<hbm>>
      %dma_start3A_28 = tpu.memref_squeeze %dma_start3A_27 : memref<1x1024xf32, #tpu.memory_space<hbm>> -> memref<1024xf32, #tpu.memory_space<hbm>>
      tpu.enqueue_dma source(%arg13 : memref<1024xf32, #tpu.memory_space<vmem>>) target(%dma_start3A_28 : memref<1024xf32, #tpu.memory_space<hbm>>) target_semaphore(%run_scoped3A : memref<!tpu.dma_semaphore, #tpu.memory_space<semaphore_mem>>)
      %dma_wait3A = arith.constant 0 : i32
      %dma_wait3A_29 = tpu.memref_slice %arg5[%add3A, %dma_wait3A] : memref<32x1024xf32, #tpu.memory_space<hbm>> -> memref<1x1024xf32, #tpu.memory_space<hbm>>
      %dma_wait3A_30 = tpu.memref_squeeze %dma_wait3A_29 : memref<1x1024xf32, #tpu.memory_space<hbm>> -> memref<1024xf32, #tpu.memory_space<hbm>>
      %dma_wait3A_31 = arith.constant 0 : i32
      %dma_wait3A_32 = tpu.memref_slice %arg5[%add3A, %dma_wait3A_31] : memref<32x1024xf32, #tpu.memory_space<hbm>> -> memref<1x1024xf32, #tpu.memory_space<hbm>>
      %dma_wait3A_33 = tpu.memref_squeeze %dma_wait3A_32 : memref<1x1024xf32, #tpu.memory_space<hbm>> -> memref<1024xf32, #tpu.memory_space<hbm>>
      tpu.wait_dma2 semaphore(%run_scoped3A : memref<!tpu.dma_semaphore, #tpu.memory_space<semaphore_mem>>) src(%arg13 : memref<1024xf32, #tpu.memory_space<vmem>>) dst(%dma_wait3A_33 : memref<1024xf32, #tpu.memory_space<hbm>>)
      tpu.yield
    }) : () -> ()
    return
  }
}

module attributes {stable_mosaic.version = 14 : i64} {
  func.func @_mlp_body(%arg0: memref<512x64xf32, #tpu.memory_space<vmem>>, %arg1: memref<1024x64xf32, #tpu.memory_space<vmem>>, %arg2: memref<1x1024xf32, #tpu.memory_space<vmem>>, %arg3: memref<1024x1024xf32, #tpu.memory_space<vmem>>, %arg4: memref<1x1024xf32, #tpu.memory_space<vmem>>, %arg5: memref<16x1024xf32, #tpu.memory_space<vmem>>) attributes {dimension_semantics = [], scalar_prefetch = 0 : i64, scratch_operands = 0 : i64, tpu.core_type = #tpu.core_type<tc>} {
    %get3A = arith.constant 0 : index
    %get3A_0 = arith.constant 0 : index
    %get3A_1 = vector.load %arg0[%get3A, %get3A_0] : memref<512x64xf32, #tpu.memory_space<vmem>>, vector<512x64xf32>
    %iota3A = tpu.iota {dimensions = array<i32: 1>} : vector<16x512xi32>
    %iota3A_2 = tpu.iota {dimensions = array<i32: 0>} : vector<16x512xi32>
    %jit3A = arith.constant 16 : i32
    %eq3A = arith.constant 0 : i32
    %eq3A_3 = arith.cmpi eq, %jit3A, %eq3A : i32
    %jit3A_4 = arith.constant 1 : i32
    %select_n3A = arith.select %eq3A_3, %jit3A_4, %jit3A : i32
    %rem3A = vector.broadcast %select_n3A : i32 to vector<16x512xi32>
    %rem3A_5 = arith.remsi %iota3A, %rem3A : vector<16x512xi32>
    %ne3A = arith.constant 0 : i32
    %ne3A_6 = vector.broadcast %ne3A : i32 to vector<16x512xi32>
    %ne3A_7 = arith.cmpi ne, %rem3A_5, %ne3A_6 : vector<16x512xi32>
    %lt3A = arith.constant 0 : i32
    %lt3A_8 = vector.broadcast %lt3A : i32 to vector<16x512xi32>
    %lt3A_9 = arith.cmpi slt, %rem3A_5, %lt3A_8 : vector<16x512xi32>
    %lt3A_10 = arith.constant 0 : i32
    %lt3A_11 = arith.cmpi slt, %select_n3A, %lt3A_10 : i32
    %ne3A_12 = vector.broadcast %lt3A_11 : i1 to vector<16x512xi1>
    %ne3A_13 = vector.broadcast %ne3A_12 : vector<16x512xi1> to vector<16x512xi1>
    %ne3A_14 = arith.xori %lt3A_9, %ne3A_13 : vector<16x512xi1>
    %and3A = arith.andi %ne3A_14, %ne3A_7 : vector<16x512xi1>
    %add3A = vector.broadcast %select_n3A : i32 to vector<16x512xi32>
    %add3A_15 = arith.addi %rem3A_5, %add3A : vector<16x512xi32>
    %select_n3A_16 = arith.select %and3A, %add3A_15, %rem3A_5 : vector<16x512xi1>, vector<16x512xi32>
    %eq3A_17 = arith.cmpi eq, %select_n3A_16, %iota3A_2 : vector<16x512xi32>
    %jit3A_18 = arith.constant 1.000000e+00 : f32
    %jit3A_19 = arith.constant 0.000000e+00 : f32
    %broadcast_in_dim3A = vector.broadcast %jit3A_18 : f32 to vector<16x512xf32>
    %broadcast_in_dim3A_20 = vector.broadcast %jit3A_19 : f32 to vector<16x512xf32>
    %select_n3A_21 = arith.select %eq3A_17, %broadcast_in_dim3A, %broadcast_in_dim3A_20 : vector<16x512xi1>, vector<16x512xf32>
    %dot_general3A = arith.constant dense<0.000000e+00> : vector<16x64xf32>
    %dot_general3A_22 = tpu.matmul %select_n3A_21, %get3A_1, %dot_general3A {dimension_numbers = #tpu.dot_dimension_numbers<[1], [0], [0], [1], [0, 0, 1, 1], [], []>, precision = #tpu.contract_precision<fp32>, transpose_lhs_hint = false} : vector<16x512xf32>, vector<512x64xf32>, vector<16x64xf32> -> vector<16x64xf32>
    %reduce_sum3A = arith.constant dense<0.000000e+00> : vector<16xf32>
    %reduce_sum3A_23 = vector.multi_reduction <add>, %dot_general3A_22, %reduce_sum3A [1] : vector<16x64xf32> to vector<16xf32>
    %broadcast_in_dim3A_24 = vector.shape_cast %reduce_sum3A_23 : vector<16xf32> to vector<16x1xf32>
    %add3A_25 = arith.constant 9.99999993E-9 : f32
    %add3A_26 = vector.broadcast %add3A_25 : f32 to vector<16x1xf32>
    %add3A_27 = arith.addf %broadcast_in_dim3A_24, %add3A_26 : vector<16x1xf32>
    %div3A = vector.broadcast %add3A_27 : vector<16x1xf32> to vector<16x64xf32>
    %div3A_28 = arith.divf %dot_general3A_22, %div3A : vector<16x64xf32>
    %get3A_29 = arith.constant 0 : index
    %get3A_30 = arith.constant 0 : index
    %get3A_31 = vector.load %arg1[%get3A_29, %get3A_30] : memref<1024x64xf32, #tpu.memory_space<vmem>>, vector<1024x64xf32>
    %dot_general3A_32 = arith.constant dense<0.000000e+00> : vector<16x1024xf32>
    %dot_general3A_33 = tpu.matmul %div3A_28, %get3A_31, %dot_general3A_32 {dimension_numbers = #tpu.dot_dimension_numbers<[1], [1], [0], [0], [0, 0, 1, 0], [], []>, precision = #tpu.contract_precision<fp32>, transpose_lhs_hint = false} : vector<16x64xf32>, vector<1024x64xf32>, vector<16x1024xf32> -> vector<16x1024xf32>
    %get3A_34 = arith.constant 0 : index
    %get3A_35 = arith.constant 0 : index
    %get3A_36 = vector.load %arg2[%get3A_34, %get3A_35] : memref<1x1024xf32, #tpu.memory_space<vmem>>, vector<1x1024xf32>
    %add3A_37 = vector.broadcast %get3A_36 : vector<1x1024xf32> to vector<16x1024xf32>
    %add3A_38 = arith.addf %dot_general3A_33, %add3A_37 : vector<16x1024xf32>
    %neg3A = arith.constant 0.000000e+00 : f32
    %neg3A_39 = vector.broadcast %neg3A : f32 to vector<16x1024xf32>
    %neg3A_40 = arith.subf %neg3A_39, %add3A_38 : vector<16x1024xf32>
    %exp3A = math.exp %neg3A_40 : vector<16x1024xf32>
    %add3A_41 = arith.constant 1.000000e+00 : f32
    %add3A_42 = vector.broadcast %add3A_41 : f32 to vector<16x1024xf32>
    %add3A_43 = arith.addf %add3A_42, %exp3A : vector<16x1024xf32>
    %div3A_44 = arith.constant 1.000000e+00 : f32
    %div3A_45 = vector.broadcast %div3A_44 : f32 to vector<16x1024xf32>
    %div3A_46 = arith.divf %div3A_45, %add3A_43 : vector<16x1024xf32>
    %mul3A = arith.mulf %add3A_38, %div3A_46 : vector<16x1024xf32>
    %get3A_47 = arith.constant 0 : index
    %get3A_48 = arith.constant 0 : index
    %get3A_49 = vector.load %arg3[%get3A_47, %get3A_48] : memref<1024x1024xf32, #tpu.memory_space<vmem>>, vector<1024x1024xf32>
    %dot_general3A_50 = arith.constant dense<0.000000e+00> : vector<16x1024xf32>
    %dot_general3A_51 = tpu.matmul %mul3A, %get3A_49, %dot_general3A_50 {dimension_numbers = #tpu.dot_dimension_numbers<[1], [1], [0], [0], [0, 0, 1, 0], [], []>, precision = #tpu.contract_precision<fp32>, transpose_lhs_hint = false} : vector<16x1024xf32>, vector<1024x1024xf32>, vector<16x1024xf32> -> vector<16x1024xf32>
    %get3A_52 = arith.constant 0 : index
    %get3A_53 = arith.constant 0 : index
    %get3A_54 = vector.load %arg4[%get3A_52, %get3A_53] : memref<1x1024xf32, #tpu.memory_space<vmem>>, vector<1x1024xf32>
    %add3A_55 = vector.broadcast %get3A_54 : vector<1x1024xf32> to vector<16x1024xf32>
    %add3A_56 = arith.addf %dot_general3A_51, %add3A_55 : vector<16x1024xf32>
    %swap3A = arith.constant 0 : index
    %swap3A_57 = arith.constant 0 : index
    %swap3A_58 = vector.load %arg5[%swap3A, %swap3A_57] : memref<16x1024xf32, #tpu.memory_space<vmem>>, vector<16x1024xf32>
    tpu.vector_store %arg5[%swap3A, %swap3A_57], %add3A_56 {strides = array<i32>} : memref<16x1024xf32, #tpu.memory_space<vmem>>, vector<16x1024xf32>,
    return
  }
}

</mosaic_0001>

<sc_bundles>
// kernel: kernel.4.cloned.1.call-start
scs
__scs_entry_jumppad:
0x0: {  	(pc) =	sbr.rel $0x88, $3  }
0x1: {  	(tag) =	ssettag $0x0;
	lr =	simm.s32 $0x1  }
0x2: {  	[smem:$0x3F9B] =	sst lr;
	_ =	strace $0xD0000000  }
0x3: {  	_ = 	snop  }
0x4: {  	_ = 	snop  }
0x5: {  	_ = 	snop  }
0x6: {  	_ = 	snop  }
0x7: {  	_ = 	snop  }
__scs_overlays_trampoline_lowered:
0x8: {  	[smem:$0x3FAA] =	sst s0  }
0x9: {  	[smem:$0x3FAB] =	sst s1  }
0xa: {  	[smem:$0x3FAC] =	sst s2  }
0xb: {  	[smem:$0x3FAD] =	sst s3  }
0xc: {  	[smem:$0x3FAE] =	sst s4  }
0xd: {  	[smem:$0x3FAF] =	sst s5  }
0xe: {  	[smem:$0x3FB0] =	sst s6  }
0xf: {  	[smem:$0x3FB1] =	sst s7  }
0x10: {  	[smem:$0x3FB2] =	sst s8  }
0x11: {  	[smem:$0x3FB3] =	sst s9;
	s0 =	simm.s32 @!p0 $0x0  }
0x12: {  	s1 =	sld [smem:$0x3F99];
	s0 =	simm.s32 @p0 $0x1  }
0x13: {  	[smem:$0x3FB4] =	sst s0;
	s0 =	simm.s32 @!p1 $0x0  }
0x14: {  	s2 =	sld [smem:$0x3F98];
	s0 =	simm.s32 @p1 $0x1  }
0x15: {  	[smem:$0x3FB5] =	sst s0;
	s0 =	simm.s32 @!p2 $0x0  }
0x16: {  	s3 =	sld [smem:$0x3FDB];
	s0 =	simm.s32 @p2 $0x1  }
0x17: {  	s4 =	simm.s32 $0x1BF5;
	[smem:$0x3FB7] =	sst s0  }
0x18: {  	s0 =	sld [smem:$0x3F9A];
	_ =	swait.ge [sflag:s4], $0x0  }
0x19: {  	s7 =	sld [smem:$0x3F9B]  }
0x1a: {  	s8 =	sadd.s32 $0xFFFFE003, lr  }
0x1b: {  	s9 =	sadd.s32 $0xFFFFFEF7, lr;
	s5 =	simm.s32 $0xFFFFFFFF;
	p2 =	slt.u32 s8, $0xFFFFF086  }
0x1c: {  	p1 =	slt.u32 s9, $0xF7A;
	s5 =	simm.s32 @!p2 $0x0  }
0x1d: {  	s5 =	simm.s32 @p1 $0x1;
	p0 =	seq.s32 s7, s2  }
0x1e: {  	s7 =	smul.u32 @!p0 $0xF7A, s2;
	p2 =	seq.s32 @!p0 s5, $0x0  }
0x1f: {  	s9 =	smul.u32 $0xF7A, s1;
	s8 =	simm.s32 @!p0 $0x1BF5;
	p2 =	por !p2, p0  }
0x20: {  	[sflag:s8] =	ssyncset.s32 @!p0 $0xFFFFF086;
	s6 =	sadd.s32 @!p0 s3, s7;
	s7 =	simm.s32 @!p0 $0x108  }
0x21: {  	s3 =	sadd.s32 s3, s9;
	s6 =	sadd.s32 @!p0 $0x88, s6;
	s7 =	simm.s32 @p2 $0x1082  }
0x22: {  	[simem:s7], [sflag:s8] =	dma.local @!p0 [hbm:s6], $0xF7A  }
0x23: {  	s9 =	sor.u32 $0xD0000000, s2;
	s6 =	simm.s32 $0x108;
	_ =	swait.ge @!p0 [sflag:s8], $0x0  }
0x24: {  	s3 =	sadd.s32 $0x88, s3;
	s6 =	simm.s32 @!p1 $0x1082;
	[sflag:s4] =	ssyncset.s32 $0xFFFFF086  }
0x25: {  	[simem:s6], [sflag:s4] =	dma.local [hbm:s3], $0xF7A  }
0x26: {  	[smem:$0x3F9B] =	sst s1;
	(tag) =	ssettag s2;
	_ =	strace s9  }
0x27: {  	s1 =	sld [smem:$0x3FAB]  }
0x28: {  	s2 =	sld [smem:$0x3FAC]  }
0x29: {  	s4 =	sld [smem:$0x3FAE]  }
0x2a: {  	p0 =	seq.s32 s5, $0x0;
	s5 =	sld [smem:$0x3FAF]  }
0x2b: {  	s6 =	sld [smem:$0x3FB0]  }
0x2c: {  	s7 =	sld [smem:$0x3FB1]  }
0x2d: {  	s3 =	simm.s32 $0x108;
	s8 =	sld [smem:$0x3FB2]  }
0x2e: {  	s3 =	simm.s32 @!p0 $0x1082;
	s9 =	sld [smem:$0x3FB3]  }
0x2f: {  	lr =	sadd.s32 s0, s3;
	s0 =	sld [smem:$0x3FAA]  }
0x30: {  	s3 =	sld [smem:$0x3FAD]  }
0x31: {  	[smem:$0x3FB6] =	sst s10  }
0x32: {  	s10 =	sld [smem:$0x3FB4];
	_ =	sdelay $0x3  }
0x33: {  	p0 =	seq.s32 s10, $0x1;
	s10 =	sld [smem:$0x3FB6];
	_ =	sdelay $0x3  }
0x34: {  	[smem:$0x3FB6] =	sst s10  }
0x35: {  	s10 =	sld [smem:$0x3FB5];
	_ =	sdelay $0x3  }
0x36: {  	p1 =	seq.s32 s10, $0x1;
	s10 =	sld [smem:$0x3FB6];
	_ =	sdelay $0x3  }
0x37: {  	[smem:$0x3FB6] =	sst s10  }
0x38: {  	s10 =	sld [smem:$0x3FB7]  }
0x39: {  	_ = 	snop;
	(pc) =	sbr.ind lr, $3  }
0x3a: {  	_ = 	snop  }
0x3b: {  	_ = 	snop  }
0x3c: {  	p2 =	seq.s32 s10, $0x1;
	s10 =	sld [smem:$0x3FB6]  }
0x3d: {  	_ =	shalt  }
0x3e: {  	_ =	shalt  }
0x3f: {  	_ =	shalt  }
0x40: {  	_ =	shalt  }
0x41: {  	_ =	shalt  }
0x42: {  	_ =	shalt  }
0x43: {  	_ =	shalt  }
0x44: {  	_ =	shalt  }
0x45: {  	_ =	shalt  }
0x46: {  	_ =	shalt  }
0x47: {  	_ =	shalt  }
0x48: {  	_ =	shalt  }
0x49: {  	_ =	shalt  }
0x4a: {  	_ =	shalt  }
0x4b: {  	_ =	shalt  }
0x4c: {  	_ =	shalt  }
0x4d: {  	_ =	shalt  }
0x4e: {  	_ =	shalt  }
0x4f: {  	_ =	shalt  }
0x50: {  	_ =	shalt  }
0x51: {  	_ =	shalt  }
0x52: {  	_ =	shalt  }
0x53: {  	_ =	shalt  }
0x54: {  	_ =	shalt  }
0x55: {  	_ =	shalt  }
0x56: {  	_ =	shalt  }
0x57: {  	_ =	shalt  }
0x58: {  	_ =	shalt  }
0x59: {  	_ =	shalt  }
0x5a: {  	_ =	shalt  }
0x5b: {  	_ =	shalt  }
0x5c: {  	_ =	shalt  }
0x5d: {  	_ =	shalt  }
0x5e: {  	_ =	shalt  }
0x5f: {  	_ =	shalt  }
0x60: {  	_ =	shalt  }
0x61: {  	_ =	shalt  }
0x62: {  	_ =	shalt  }
0x63: {  	_ =	shalt  }
0x64: {  	_ =	shalt  }
0x65: {  	_ =	shalt  }
0x66: {  	_ =	shalt  }
0x67: {  	_ =	shalt  }
0x68: {  	_ =	shalt  }
0x69: {  	_ =	shalt  }
0x6a: {  	_ =	shalt  }
0x6b: {  	_ =	shalt  }
0x6c: {  	_ =	shalt  }
0x6d: {  	_ =	shalt  }
0x6e: {  	_ =	shalt  }
0x6f: {  	_ =	shalt  }
0x70: {  	_ =	shalt  }
0x71: {  	_ =	shalt  }
0x72: {  	_ =	shalt  }
0x73: {  	_ =	shalt  }
0x74: {  	_ =	shalt  }
0x75: {  	_ =	shalt  }
0x76: {  	_ =	shalt  }
0x77: {  	_ =	shalt  }
0x78: {  	_ =	shalt  }
0x79: {  	_ =	shalt  }
0x7a: {  	_ =	shalt  }
0x7b: {  	_ =	shalt  }
0x7c: {  	_ =	shalt  }
0x7d: {  	_ =	shalt  }
0x7e: {  	_ =	shalt  }
0x7f: {  	_ =	shalt  }
0x80: {  	_ =	shalt  }
0x81: {  	_ =	shalt  }
0x82: {  	_ =	shalt  }
0x83: {  	_ =	shalt  }
0x84: {  	_ =	shalt  }
0x85: {  	_ =	shalt  }
0x86: {  	_ =	shalt  }
0x87: {  	_ =	shalt  }
.Lfunc_end0:
.L_simem_size_0:
called_computation_lowered:
.L_overlay_start_0:
0x88: {  	s2 =	sld [smem:$0x3FD9]  }
0x89: {  	s3 =	sld [smem:$0x3FFE];
	_ =	sdelay $0x1  }
0x8a: {  	s1 =	srdreg.scid  }
0x8b: {  	s0 =	sand.u32 $0x1, s1  }
0x8c: {  	s17 =	sshll.u32 s0, $0xA;
	s2 =	sadd.s32 s3, s2  }
0x8d: {  	s2 =	sadd.s32 s2, s17  }
0x8e: {  	[smem:$0x3FC2] =	sst s2  }
0x8f: {  	_ = 	snop  }
0x90: {  	s2 =	sld [smem:$0x3FC8]  }
0x91: {  	s18 =	sld [smem:$0x3FD0];
	(tm) =	ssettm $0x1  }
0x92: {  	s4 =	sld [smem:$0x3FFB];
	_ =	sdelay $0x3  }
0x93: {  	_ =	strace s4  }
0x94: {  	s4 =	sld [smem:$0x3FFC];
	_ =	sdelay $0x3  }
0x95: {  	_ =	strace s4  }
0x96: {  	s4 =	sld [smem:$0x3FFD];
	_ =	sdelay $0x3  }
0x97: {  	_ =	strace s4  }
0x98: {  	_ =	strace $0x8FFFFFFF  }
0x99: {  	s19 =	sld [smem:$0x3FDB];
	_ =	sdelay $0x1  }
0x9a: {  	s5 =	simm.s32 $_scs_section_size  }
0x9b: {  	s6 =	simm.s32 $_size__tile_overlayer_lowered;
	s7 =	simm.s32 $_tile_overlayer_lowered  }
0x9c: {  	s22 =	simm.s32 $0x1BFF;
	s21 =	sshll.u32 s7, $0x1;
	s4 =	sadd.s32 s5, s19  }
0x9d: {  	s8 =	simm.s32 $0x0;
	s20 =	sshll.u32 s6, $0x1;
	s6 =	sadd.s32 s21, s4  }
0x9e: {  	[timem:s8], [sflag:s22] =	dma.local [hbm:s6], s20  }
0x9f: {  	_ =	swait.ge [sflag:s22], s20  }
0xa0: {  	s5 =	ssub.s32 $0x0, s20;
	[sflag:s22] =	ssyncset.done $0x0  }
0xa1: {  	[sflag:s22] =	ssyncadd.s32 s5;
	_ =	sdelay $0x1  }
0xa2: {  	s23 =	simm.s32 $0x1B8B  }
0xa3: {  	_ =	swait.ge [sflag:s23], $0x1  }
0xa4: {  	[sflag:s23] =	ssyncset.done $0x0  }
0xa5: {  	s25 =	simm.s32 $0x1B8E;
	s24 =	sld [smem:$0x3FFE];
	[sflag:s23] =	ssyncadd.s32 $0xFFFFFFFF  }
0xa6: {  	s26 =	simm.s32 $execute0_lowered;
	[smem:$0x3FD2] =	sst s25  }
0xa7: {  	s6 =	sshll.u32 s26, $0x1;
	_ =	strace $0x80000046;
	[dreg:$0x1] =	wrdreg $0xFFFFFFFF  }
0xa8: {  	s28 =	simm.s32 $_size_execute0_lowered;
	s4 =	sadd.s32 s4, s6;
	[dreg:$0x0] =	wrdreg $0x0  }
0xa9: {  	s6 =	sshll.u32 s28, $0x1;
	[dreg:$0x2] =	wrdreg s4  }
0xaa: {  	[dreg:$0x3] =	wrdreg s6  }
0xab: {  	[dreg:$0x4] =	wrdreg $0xC0  }
0xac: {  	_ =	task [dreg:s8], $0x5FFFF  }
0xad: {  	[dreg:$0x1] =	wrdreg $0xFFFFFFFF  }
0xae: {  	[dreg:$0x0] =	wrdreg $0x60  }
0xaf: {  	[dreg:$0x2] =	wrdreg s18  }
0xb0: {  	[dreg:$0x3] =	wrdreg s2  }
0xb1: {  	[dreg:$0x4] =	wrdreg s24  }
0xb2: {  	[dreg:$0x5] =	wrdreg $0x9  }
0xb3: {  	_ =	task.clear_ibuf [dreg:s8], $0x6FFFF;
	_ =	strace $0x90000046  }
0xb4: {  	s29 =	simm.s32 $0x9;
	_ =	strace $0x80000048  }
0xb5: {  	_ =	swait.ge [sflag:s29], $0x1  }
0xb6: {  	[sflag:s29] =	ssyncadd.s32 $0xFFFFFFFF  }
0xb7: {  	_ =	strace $0x90000048  }
0xb8: {  	_ =	sfence  }
0xb9: {  	s30 =	sld [smem:$0x0];
	_ =	sdelay $0x2  }
0xba: {  	s31 =	sshll.u32 s1, $0xD;
	s1 =	sshrl.u32 s1, $0x2  }
0xbb: {  	s3 =	sand.u32 $0x4000, s31;
	s1 =	sadd.s32 s1, s30  }
0xbc: {  	s0 =	sor.u32 s3, s0;
	s1 =	sshll.u32 s1, $0x11  }
0xbd: {  	s0 =	sor.u32 s1, s0  }
0xbe: {  	s0 =	sadd.s32 $0x8F2B, s0  }
0xbf: {  	[sflag:s0] =	ssyncadd.remote.s32 $0x1  }
0xc0: {  	_ =	sfence.sel $0xFFFF  }
0xc1: {  	[dreg:$0x0] =	wrdreg $0xFFFFFFFF;
	(pc) =	sbr.abs _section_cstart, $3  }
0xc2: {  	[dreg:$0x1] =	wrdreg $0xFFFFFFFF  }
0xc3: {  	_ =	task.clear_ibuf [dreg:s8], $0x2FFFF;
	_ =	strace $0x9FFFFFFF  }
0xc4: {  	(tm) =	ssettm $0x7FFFFFFF  }
0xc5: {  	_ =	shalt  }
tec
execute0_lowered:
.L_overlay_start_1:
0x0: {  	(tag) =	ssettag $0x1  }
0x1: {  	s0 =	rddreg [dreg:$0x2];
	s4 =	simm.s32 $0x0;
	s7 =	stileid.u32  }
0x2: {  	s2 =	srdreg.scid;
	s13 =	simm.s32 $0x1;
	s14 =	simm.s32 $0x6200  }
0x3: {  	s15 =	simm.s32 $0x7280;
	s16 =	simm.s32 $0x8300;
	s19 =	simm.s32 $0xC300  }
0x4: {  	s20 =	simm.s32 $0x0;
	[smem:$0x7FF] =	sst s4;
	s1 =	sshll.u32 s7, $0x8  }
0x5: {  	s5 =	sadd.s32 $0xE00, s0;
	s28 =	sand.u32 $0x1, s2;
	s3 =	sshll.u32 s7, $0x5  }
0x6: {  	s29 =	sshll.u32 s7, $0x7;
	_ =	strace $0x80000047;
	s1 =	sand.u32 $0xC00, s1  }
0x7: {  	s2 =	ssub.s32 $0x2, s28;
	s6 =	sshll.u32 s28, $0x4;
	s0 =	sadd.s32 s1, s0  }
0x8: {  	s6 =	sor.u32 s6, s3;
	s1 =	sshll.u32 s28, $0x6;
	s30 =	sshrl.u32 s2, $0x1  }
0x9: {  	v8 =	vlaneseq.u32;
	v1 =	vimm.f32 $0.0e+00;
	v4 =	vimm.s32 $0x800;
	s8 =	sand.u32 $0x70, s6;
	s1 =	sor.u32 s1, s29;
	s2 =	ssub.s32 s2, s30  }
0xa: {  	v5 =	vimm.s32 $0x0;
	v0 =	vmul.u32 $0x3, v8;
	v7 =	vmul.u32 $0xFFFFFFFF, v8;
	s12 =	sor.u32 $0x80000001, s6;
	s0 =	sadd.s32 s8, s0;
	s1 =	sor.u32 $0x10, s1  }
0xb: {  	v6 =	vimm.s32 $0x400;
	v9 =	vimm.f32 $1.000000000e+00;
	v8 =	vmul.u32 $0x400, v8;
	s8 =	smax.u32 s2, $0x1;
	s7 =	sadd.s32 $0x1200, s0;
	s31 =	sshrl.u32 s1, $0x2  }
0xc: {  	v2 =	vadd.s32 $0x1, v0;
	v3 =	vadd.s32 $0x2, v0;
	v7 =	vadd.s32 $0xFFFFFFFF, v7;
	s9 =	sadd.s32 $0x4100, s31;
	s10 =	sadd.s32 $0x5180, s31;
	s11 =	sadd.s32 $0x3080, s31  }
.LBB2_1:
0xd: {  	s0 =	rddreg [dreg:$0x0]  }
0xe: {  	[tilespmem:s4], [sflag:$0x1] =	stream.linear.gather [hbm4b:s0+s4], $0x3000, $0x38;
	[tilespmem:$0xC700] =	vst v63  }
0xf: {  	_ =	swait.ge [sflag:s13], $0x3000  }
0x10: {  	[sflag:s13] =	ssyncset.done $0x0  }
0x11: {  	[sflag:s13] =	ssyncadd.s32 $0xFFFFD000  }
0x12: {  	s31 =	rddreg [dreg:$0x1]  }
0x13: {  	[tilespmem:s14], [sflag:$0x1] =	stream.linear.gather [hbm4b:s31+s4], $0x1000, $0x38;
	[tilespmem:$0xC700] =	vst v63  }
0x14: {  	_ =	swait.ge [sflag:s13], $0x1000  }
0x15: {  	[sflag:s13] =	ssyncset.done $0x0  }
0x16: {  	[sflag:s13] =	ssyncadd.s32 $0xFFFFF000  }
0x17: {  	[tilespmem:s15], [sflag:$0x1] =	stream.linear.gather [hbm4b:s5+s4], $0x1080, $0x38;
	[tilespmem:$0xC700] =	vst v63  }
0x18: {  	_ =	swait.ge [sflag:s13], $0x1080  }
0x19: {  	[sflag:s13] =	ssyncset.done $0x0  }
0x1a: {  	s3 =	simm.s32 $0x8340;
	[sflag:s13] =	ssyncadd.s32 $0xFFFFEF80  }
0x1b: {  	[tilespmem:s3+$0xFFFFFFC0] =	vst v1  }
0x1c: {  	[tilespmem:s3+$0x30] =	vst v1  }
0x1d: {  	[tilespmem:s3+$0x20] =	vst v1  }
0x1e: {  	[tilespmem:s3+$0x10] =	vst v1  }
0x1f: {  	[tilespmem:s3+$0x0] =	vst v1  }
0x20: {  	s21 =	simm.s32 $0x0;
	[tilespmem:s3+$0xFFFFFFF0] =	vst v1  }
0x21: {  	s2 =	simm.s32 $0x30A0;
	s1 =	simm.s32 $0x4120;
	s0 =	simm.s32 $0x51A0;
	[tilespmem:s3+$0xFFFFFFE0] =	vst v1  }
.LBB2_2:
0x22: {  	s21 =	sadd.s32 $0x8, s21;
	[tilespmem:s3+$0xFFFFFFD0] =	vst v1;
	s3 =	sadd.s32 $0x80, s3  }
0x23: {  	[tilespmem:s3+$0xFFFFFFC0] =	vst v1;
	p0 =	slt.u32 s21, $0x3F8  }
0x24: {  	[tilespmem:s3+$0x30] =	vst v1  }
.Ltmp0:
0x25: {  	[tilespmem:s3+$0x20] =	vst v1;
	(pc) =	sbr.rel @p0 .LBB2_2-.Ltmp0, $4  }
0x26: {  	[tilespmem:s3+$0x10] =	vst v1  }
0x27: {  	[tilespmem:s3+$0x0] =	vst v1  }
0x28: {  	[tilespmem:s3+$0xFFFFFFF0] =	vst v1  }
0x29: {  	s22 =	simm.s32 $0x0;
	[tilespmem:s3+$0xFFFFFFE0] =	vst v1  }
0x2a: {  	s21 =	simm.s32 $0x10  }
0x2b: {  	s17 =	simm.s32 $0x20;
	v10 =	vmov s21  }
0x2c: {  	v11 =	vmov s17;
	v10 =	vmul.u32 $0x3, v10  }
0x2d: {  	s18 =	simm.s32 $0x30;
	v11 =	vmul.u32 $0x3, v11  }
0x2e: {  	v12 =	vmov s18;
	v13 =	vbroadcast v10, $0x0  }
0x2f: {  	v10 =	vmul.u32 $0x3, v12;
	v12 =	vmov s22;
	v14 =	vbroadcast v11, $0x0  }
0x30: {  	v11 =	vmul.u32 $0x3, v12;
	v12 =	vadd.s32 v0, v13  }
0x31: {  	v15 =	vbroadcast v10, $0x0;
	v10 =	vadd.s32 v0, v14  }
0x32: {  	s23 =	simm.s32 $0x40  }
0x33: {  	s24 =	simm.s32 $0x50;
	v18 =	vmov s23;
	v16 =	vbroadcast v11, $0x0;
	v11 =	vadd.s32 v0, v15  }
0x34: {  	[tilespmem:s3+$0xFFFFFFD0] =	vst v1;
	v19 =	vmov s24;
	v18 =	vmul.u32 $0x3, v18  }
0x35: {  	s25 =	simm.s32 $0x60;
	v19 =	vmul.u32 $0x3, v19;
	v12 =	vld.idx.msk [tilespmem:v12+s4+$0x0], $0xffff  }
0x36: {  	s26 =	simm.s32 $0x70;
	v22 =	vmov s25;
	v17 =	vor.u32 v0, v16;
	v21 =	vld.idx.msk [tilespmem:v10+s4+$0x0], $0xffff;
	v10 =	vbroadcast v18, $0x0  }
0x37: {  	v28 =	vbroadcast v19, $0x0;
	v23 =	vadd.s32 v2, v13;
	v18 =	vmov s26  }
0x38: {  	v18 =	vmul.u32 $0x3, v18;
	v24 =	vld.idx.msk [tilespmem:v11+s4+$0x0], $0xffff;
	v11 =	vmul.u32 $0x3, v22;
	v22 =	vor.u32 v0, v10  }
0x39: {  	v26 =	vadd.s32 v0, v28  }
0x3a: {  	v19 =	vadd.s32 v2, v15;
	v27 =	vbroadcast v18, $0x0  }
0x3b: {  	v20 =	vadd.s32 v2, v14;
	v25 =	vld.idx.msk [tilespmem:v17+s4+$0x0], $0xffff;
	v11 =	vbroadcast v11, $0x0;
	[tilespmem:s2+$0xFFFFFFF0] =	vst v12  }
0x3c: {  	[tilespmem:s2+$0x0] =	vst v21;
	v21 =	vadd.s32 v0, v27;
	v18 =	vld.idx.msk [tilespmem:v23+s4+$0x0], $0xffff  }
0x3d: {  	v12 =	vadd.s32 v0, v11;
	v17 =	vld.idx.msk [tilespmem:v22+s4+$0x0], $0xffff  }
0x3e: {  	v13 =	vadd.s32 v3, v13;
	[tilespmem:s2+$0x10] =	vst v24;
	v24 =	vld.idx.msk [tilespmem:v26+s4+$0x0], $0xffff  }
0x3f: {  	s28 =	simm.s32 $0x80;
	v22 =	vor.u32 v2, v16;
	v19 =	vld.idx.msk [tilespmem:v19+s4+$0x0], $0xffff  }
0x40: {  	v29 =	vadd.s32 v2, v28;
	v20 =	vld.idx.msk [tilespmem:v20+s4+$0x0], $0xffff;
	v23 =	vmov s28  }
0x41: {  	s29 =	simm.s32 $0x90;
	v15 =	vadd.s32 v3, v15;
	v23 =	vmul.u32 $0x3, v23;
	[tilespmem:s2+$0xFFFFFFE0] =	vst v25;
	v21 =	vld.idx.msk [tilespmem:v21+s4+$0x0], $0xffff  }
0x42: {  	s30 =	simm.s32 $0xA0;
	s21 =	simm.s32 $0x30E0;
	v14 =	vadd.s32 v3, v14;
	v31 =	vadd.s32 v2, v27;
	v26 =	vld.idx.msk [tilespmem:v12+s4+$0x0], $0xffff;
	[tilespmem:s1+$0xFFFFFFF0] =	vst v18;
	v18 =	vmov s29  }
0x43: {  	s31 =	simm.s32 $0xB0;
	v12 =	vbroadcast v23, $0x0;
	v23 =	vld.idx.msk [tilespmem:v13+s4+$0x0], $0xffff;
	v13 =	vmul.u32 $0x3, v18;
	v18 =	vmov s30;
	[tilespmem:s21+$0xFFFFFFF0] =	vst v24  }
0x44: {  	v30 =	vadd.s32 v2, v11;
	v32 =	vld.idx.msk [tilespmem:v22+s4+$0x0], $0xffff;
	[tilespmem:s1+$0x10] =	vst v19;
	v19 =	vmul.u32 $0x3, v18;
	v18 =	vmov s31  }
0x45: {  	[tilespmem:s1+$0x0] =	vst v20;
	v20 =	vor.u32 v0, v12;
	v25 =	vld.idx.msk [tilespmem:v29+s4+$0x0], $0xffff;
	v22 =	vmul.u32 $0x3, v18;
	v13 =	vbroadcast v13, $0x0  }
0x46: {  	v34 =	vor.u32 v3, v16;
	v33 =	vld.idx.msk [tilespmem:v15+s4+$0x0], $0xffff;
	v16 =	vbroadcast v19, $0x0  }
0x47: {  	v18 =	vld.idx.msk [tilespmem:v14+s4+$0x0], $0xffff;
	[tilespmem:s21+$0x10] =	vst v21;
	v19 =	vbroadcast v22, $0x0;
	v29 =	vadd.s32 v0, v13  }
0x48: {  	v15 =	vadd.s32 v3, v27;
	[tilespmem:s21+$0x0] =	vst v26;
	v22 =	vld.idx.msk [tilespmem:v31+s4+$0x0], $0xffff;
	v27 =	vadd.s32 v0, v16  }
0x49: {  	v24 =	vld.idx.msk [tilespmem:v30+s4+$0x0], $0xffff;
	[tilespmem:s0+$0xFFFFFFF0] =	vst v23;
	v26 =	vadd.s32 v0, v19  }
0x4a: {  	v28 =	vadd.s32 v3, v28;
	[tilespmem:s1+$0xFFFFFFE0] =	vst v32;
	v20 =	vld.idx.msk [tilespmem:v20+s4+$0x0], $0xffff  }
0x4b: {  	s23 =	simm.s32 $0xC0;
	s22 =	simm.s32 $0x8;
	s2 =	simm.s32 $0x51E0;
	v21 =	vor.u32 v2, v10;
	v14 =	vadd.s32 v3, v19;
	v23 =	vld.idx.msk [tilespmem:v34+s4+$0x0], $0xffff;
	[tilespmem:s0+$0x10] =	vst v33  }
.LBB2_4:
0x4c: {  	v30 =	vmov s23;
	s3 =	sadd.s32 $0x10, s23;
	s22 =	sadd.s32 $0x4, s22;
	v31 =	vld.idx.msk [tilespmem:v29+s4+$0x0], $0xffff;
	[tilespmem:s21+$0xFFFFFFE0] =	vst v17;
	v32 =	vor.u32 v3, v10;
	v33 =	vadd.s32 v3, v11;
	s1 =	sadd.s32 $0x40, s1;
	v10 =	vmovc v12  }
0x4d: {  	v34 =	vadd.s32 v2, v16;
	v11 =	vmovc v16;
	v12 =	vmul.u32 $0x3, v30;
	v17 =	vmov s3;
	s3 =	sadd.s32 $0x20, s23;
	p0 =	slt.u32 s22, $0xFC;
	v30 =	vld.idx.msk [tilespmem:v27+s4+$0x0], $0xffff;
	[tilespmem:s1+$0xFFFFFFF0] =	vst v25  }
0x4e: {  	v25 =	vadd.s32 v2, v13;
	v16 =	vmul.u32 $0x3, v17;
	v27 =	vmov s3;
	s3 =	sadd.s32 $0x30, s23;
	v35 =	vld.idx.msk [tilespmem:v26+s4+$0x0], $0xffff;
	[tilespmem:s1+$0x0] =	vst v24  }
0x4f: {  	v12 =	vbroadcast v12, $0x0;
	v24 =	vmul.u32 $0x3, v27;
	v26 =	vmov s3;
	v28 =	vld.idx.msk [tilespmem:v28+s4+$0x0], $0xffff;
	[tilespmem:s1+$0x10] =	vst v22  }
0x50: {  	v37 =	vadd.s32 v2, v19;
	s21 =	sadd.s32 $0x40, s21;
	v36 =	vbroadcast v16, $0x0;
	v22 =	vmul.u32 $0x3, v26;
	v38 =	vld.idx.msk [tilespmem:v21+s4+$0x0], $0xffff;
	[tilespmem:s0+$0x0] =	vst v18;
	v17 =	vmovc v20  }
0x51: {  	v20 =	vor.u32 v0, v12;
	v16 =	vbroadcast v24, $0x0;
	v39 =	vld.idx.msk [tilespmem:v15+s4+$0x0], $0xffff;
	[tilespmem:s0+$0xFFFFFFE0] =	vst v23;
	v15 =	vmov v14;
	s0 =	smov.u32 s2  }
0x52: {  	v29 =	vadd.s32 v0, v36;
	v19 =	vbroadcast v22, $0x0;
	[tilespmem:s21+$0xFFFFFFF0] =	vst v31;
	v18 =	vld.idx.msk [tilespmem:v33+s4+$0x0], $0xffff  }
.Ltmp1:
0x53: {  	v27 =	vadd.s32 v0, v16;
	v25 =	vld.idx.msk [tilespmem:v25+s4+$0x0], $0xffff;
	[tilespmem:s21+$0x0] =	vst v30;
	(pc) =	sbr.rel @p0 .LBB2_4-.Ltmp1, $4  }
0x54: {  	v26 =	vadd.s32 v0, v19;
	v14 =	vadd.s32 v3, v19;
	v24 =	vld.idx.msk [tilespmem:v34+s4+$0x0], $0xffff;
	[tilespmem:s21+$0x10] =	vst v35  }
0x55: {  	v22 =	vld.idx.msk [tilespmem:v37+s4+$0x0], $0xffff;
	[tilespmem:s2+$0xFFFFFFF0] =	vst v28  }
0x56: {  	v21 =	vor.u32 v2, v10;
	v28 =	vadd.s32 v3, v13;
	v13 =	vmov v36;
	v20 =	vld.idx.msk [tilespmem:v20+s4+$0x0], $0xffff;
	[tilespmem:s1+$0xFFFFFFE0] =	vst v38  }
0x57: {  	s23 =	sadd.s32 $0x40, s23;
	s2 =	sadd.s32 $0x40, s2;
	v23 =	vld.idx.msk [tilespmem:v32+s4+$0x0], $0xffff;
	[tilespmem:s0+$0x10] =	vst v39  }
0x58: {  	_ =	sdelay $0x1  }
0x59: {  	[tilespmem:s21+$0xFFFFFFE0] =	vst v17  }
0x5a: {  	s1 =	sadd.s32 $0x40, s1;
	[tilespmem:s0+$0x0] =	vst v18  }
0x5b: {  	v53 =	vld.idx.msk [tilespmem:v29+s4+$0x0], $0xffff;
	v58 =	vor.u32 v2, v12;
	[tilespmem:s1+$0xFFFFFFF0] =	vst v25  }
0x5c: {  	v54 =	vld.idx.msk [tilespmem:v27+s4+$0x0], $0xffff;
	v11 =	vadd.s32 v3, v11;
	[tilespmem:s1+$0x0] =	vst v24  }
0x5d: {  	v55 =	vadd.s32 v2, v13;
	v26 =	vld.idx.msk [tilespmem:v26+s4+$0x0], $0xffff;
	s3 =	sadd.s32 $0x40, s21;
	[tilespmem:s1+$0x10] =	vst v22  }
0x5e: {  	v19 =	vadd.s32 v2, v19;
	v21 =	vld.idx.msk [tilespmem:v21+s4+$0x0], $0xffff;
	[tilespmem:s3+$0xFFFFFFE0] =	vst v20  }
0x5f: {  	v57 =	vadd.s32 v2, v16;
	v56 =	vld.idx.msk [tilespmem:v28+s4+$0x0], $0xffff;
	[tilespmem:s0+$0xFFFFFFE0] =	vst v23  }
0x60: {  	[tilespmem:s3+$0xFFFFFFF0] =	vst v53;
	v17 =	vld.idx.msk [tilespmem:v58+s4+$0x0], $0xffff  }
0x61: {  	v10 =	vor.u32 v3, v10;
	[tilespmem:s3+$0x0] =	vst v54;
	v11 =	vld.idx.msk [tilespmem:v11+s4+$0x0], $0xffff  }
0x62: {  	v62 =	vor.u32 v3, v12;
	[tilespmem:s3+$0x10] =	vst v26;
	v59 =	vld.idx.msk [tilespmem:v55+s4+$0x0], $0xffff  }
0x63: {  	v60 =	vadd.s32 v3, v13;
	v19 =	vld.idx.msk [tilespmem:v19+s4+$0x0], $0xffff;
	[tilespmem:s1+$0xFFFFFFE0] =	vst v21  }
0x64: {  	s30 =	sadd.s32 $0x40, s1;
	v18 =	vld.idx.msk [tilespmem:v57+s4+$0x0], $0xffff;
	[tilespmem:s2+$0xFFFFFFF0] =	vst v56  }
0x65: {  	v61 =	vadd.s32 v3, v16;
	v15 =	vld.idx.msk [tilespmem:v15+s4+$0x0], $0xffff;
	[tilespmem:s30+$0xFFFFFFE0] =	vst v17  }
0x66: {  	v10 =	vld.idx.msk [tilespmem:v10+s4+$0x0], $0xffff;
	[tilespmem:s2+$0x0] =	vst v11  }
0x67: {  	[tilespmem:s30+$0xFFFFFFF0] =	vst v59;
	v11 =	vld.idx.msk [tilespmem:v62+s4+$0x0], $0xffff  }
0x68: {  	[tilespmem:s30+$0x10] =	vst v19;
	v13 =	vld.idx.msk [tilespmem:v60+s4+$0x0], $0xffff  }
0x69: {  	[tilespmem:s30+$0x0] =	vst v18;
	v14 =	vld.idx.msk [tilespmem:v14+s4+$0x0], $0xffff  }
0x6a: {  	[tilespmem:s2+$0x10] =	vst v15;
	v63 =	vld.idx.msk [tilespmem:v61+s4+$0x0], $0xffff  }
0x6b: {  	s31 =	sadd.s32 $0x40, s2;
	[tilespmem:s2+$0xFFFFFFE0] =	vst v10  }
0x6c: {  	[tilespmem:s31+$0xFFFFFFE0] =	vst v11  }
0x6d: {  	[tilespmem:s31+$0xFFFFFFF0] =	vst v13  }
.Ltmp2:
0x6e: {  	[tilespmem:s31+$0x10] =	vst v14;
	(pc) =	sbr.rel .LBB2_6-.Ltmp2, $4  }
0x6f: {  	[tilespmem:s31+$0x0] =	vst v63  }
0x70: {  	[tilespmem:$0x4080] =	vst v1  }
0x71: {  	s21 =	simm.s32 $0x0;
	s22 =	smov.u32 s12;
	[tilespmem:$0x5100] =	vst v1  }
0x72: {  	s23 =	smov.u32 s11;
	s24 =	smov.u32 s10;
	s25 =	smov.u32 s9;
	[tilespmem:$0x6180] =	vst v1  }
.LBB2_13:
0x73: {  	s21 =	sadd.s32 $0x1, s21  }
0x74: {  	p0 =	sne.s32 s21, $0x8  }
.Ltmp3:
0x75: {  	_ = 	snop;
	(pc) =	sbr.rel @!p0 .LBB2_14-.Ltmp3, $3  }
0x76: {  	_ =	sdelay $0x1  }
0x77: {  	s25 =	sadd.s32 $0x200, s25  }
0x78: {  	s24 =	sadd.s32 $0x200, s24;
	s23 =	sadd.s32 $0x200, s23;
	s22 =	sadd.s32 $0x200, s22  }
.LBB2_6:
0x79: {  	_ = 	snop  }
0x7a: {  	s0 =	sshll.u32 s21, $0x9  }
0x7b: {  	s0 =	sor.u32 s6, s0  }
0x7c: {  	v13 =	vld [tilespmem:s0+$0x6200]  }
0x7d: {  	v10 =	vld.idx.msk [tilespmem:v4+s14+$0x0], $0xffff;
	_ =	sdelay $0x3  }
0x7e: {  	v11 =	vadd.s32 $0x1, v13  }
0x7f: {  	vm0 =	vlt.s32 v10, v11  }
0x80: {  	v10 =	vsel vm0, $0xC00, v6;
	_ =	sdelay $0x4  }
0x81: {  	v12 =	vld.idx.msk [tilespmem:v10+s14+$0x0], $0xffff;
	_ =	sdelay $0x4  }
0x82: {  	v14 =	vsel vm0, $0x1000, v4;
	vm1 =	vlt.s32 v12, v11  }
0x83: {  	v15 =	vor.u32 $0x1, v10;
	v12 =	vsel vm0, $0x801, v5;
	v10 =	vsel vm1, v14, v10  }
0x84: {  	v12 =	vsel vm1, v15, v12;
	v14 =	vadd.s32 $0xFFFFFFFF, v10  }
0x85: {  	v15 =	vxor.u32 v14, v12  }
0x86: {  	v14 =	vor.u32 v14, v12;
	v15 =	vshrl.u32 v15, $0x1  }
0x87: {  	v14 =	vsub.s32 v14, v15;
	_ =	sdelay $0x4  }
0x88: {  	v15 =	vld.idx.msk [tilespmem:v14+s14+$0x0], $0xffff;
	_ =	sdelay $0x4  }
0x89: {  	vm6 =	vlt.s32 v15, v11;
	v15 =	vor.u32 $0x1, v14  }
0x8a: {  	v12 =	vsel vm6, v15, v12;
	v10 =	vsel vm6, v10, v14  }
0x8b: {  	v14 =	vxor.u32 v10, v12  }
0x8c: {  	v15 =	vand.u32 v10, v12;
	v14 =	vshrl.u32 v14, $0x1  }
0x8d: {  	v14 =	vadd.s32 v14, v15;
	_ =	sdelay $0x4  }
0x8e: {  	v15 =	vld.idx.msk [tilespmem:v14+s14+$0x0], $0xffff;
	_ =	sdelay $0x4  }
0x8f: {  	vm7 =	vlt.s32 v15, v11;
	v15 =	vadd.s32 $0x1, v14  }
0x90: {  	v12 =	vsel vm7, v15, v12;
	v10 =	vsel vm7, v10, v14  }
0x91: {  	v14 =	vadd.s32 v10, v12  }
0x92: {  	v14 =	vshrl.u32 v14, $0x1;
	_ =	sdelay $0x4  }
0x93: {  	v15 =	vld.idx.msk [tilespmem:v14+s14+$0x0], $0xffff;
	_ =	sdelay $0x4  }
0x94: {  	vm8 =	vlt.s32 v15, v11;
	v15 =	vadd.s32 $0x1, v14  }
0x95: {  	v12 =	vsel vm8, v15, v12;
	v10 =	vsel vm8, v10, v14  }
0x96: {  	v14 =	vadd.s32 v10, v12  }
0x97: {  	v14 =	vshrl.u32 v14, $0x1;
	_ =	sdelay $0x4  }
0x98: {  	v15 =	vld.idx.msk [tilespmem:v14+s14+$0x0], $0xffff;
	_ =	sdelay $0x4  }
0x99: {  	vm9 =	vlt.s32 v15, v11;
	v15 =	vadd.s32 $0x1, v14  }
0x9a: {  	v12 =	vsel vm9, v15, v12;
	v10 =	vsel vm9, v10, v14  }
0x9b: {  	v14 =	vadd.s32 v10, v12  }
0x9c: {  	v14 =	vshrl.u32 v14, $0x1;
	_ =	sdelay $0x4  }
0x9d: {  	v15 =	vld.idx.msk [tilespmem:v14+s14+$0x0], $0xffff;
	_ =	sdelay $0x4  }
0x9e: {  	vm10 =	vlt.s32 v15, v11;
	v15 =	vadd.s32 $0x1, v14  }
0x9f: {  	v12 =	vsel vm10, v15, v12;
	v10 =	vsel vm10, v10, v14  }
0xa0: {  	v14 =	vadd.s32 v10, v12  }
0xa1: {  	v14 =	vshrl.u32 v14, $0x1;
	_ =	sdelay $0x4  }
0xa2: {  	v15 =	vld.idx.msk [tilespmem:v14+s14+$0x0], $0xffff;
	_ =	sdelay $0x4  }
0xa3: {  	vm11 =	vlt.s32 v15, v11;
	v15 =	vadd.s32 $0x1, v14  }
0xa4: {  	v12 =	vsel vm11, v15, v12;
	v10 =	vsel vm11, v10, v14  }
0xa5: {  	v14 =	vadd.s32 v10, v12  }
0xa6: {  	v14 =	vshrl.u32 v14, $0x1;
	_ =	sdelay $0x4  }
0xa7: {  	v15 =	vld.idx.msk [tilespmem:v14+s14+$0x0], $0xffff;
	_ =	sdelay $0x4  }
0xa8: {  	vm12 =	vlt.s32 v15, v11;
	v15 =	vadd.s32 $0x1, v14  }
0xa9: {  	v12 =	vsel vm12, v15, v12;
	v10 =	vsel vm12, v10, v14  }
0xaa: {  	v14 =	vadd.s32 v10, v12  }
0xab: {  	v14 =	vshrl.u32 v14, $0x1;
	_ =	sdelay $0x4  }
0xac: {  	v15 =	vld.idx.msk [tilespmem:v14+s14+$0x0], $0xffff;
	_ =	sdelay $0x4  }
0xad: {  	vm13 =	vlt.s32 v15, v11;
	v15 =	vadd.s32 $0x1, v14  }
0xae: {  	v12 =	vsel vm13, v15, v12;
	v10 =	vsel vm13, v10, v14  }
0xaf: {  	v14 =	vadd.s32 v10, v12  }
0xb0: {  	v14 =	vshrl.u32 v14, $0x1;
	_ =	sdelay $0x4  }
0xb1: {  	v15 =	vld.idx.msk [tilespmem:v14+s14+$0x0], $0xffff;
	_ =	sdelay $0x4  }
0xb2: {  	vm14 =	vlt.s32 v15, v11;
	v15 =	vadd.s32 $0x1, v14  }
0xb3: {  	v12 =	vsel vm14, v15, v12;
	v10 =	vsel vm14, v10, v14  }
0xb4: {  	v10 =	vadd.s32 v10, v12  }
0xb5: {  	v10 =	vshrl.u32 v10, $0x1;
	_ =	sdelay $0x4  }
0xb6: {  	v14 =	vld.idx.msk [tilespmem:v10+s14+$0x0], $0xffff;
	_ =	sdelay $0x4  }
0xb7: {  	v10 =	vadd.s32 $0x1, v10;
	vm15 =	vlt.s32 v14, v11  }
0xb8: {  	v11 =	vxor.u32 s0, v7;
	v10 =	vsel vm15, v10, v12  }
0xb9: {  	v10 =	vadd.s32 v11, v10  }
0xba: {  	v11 =	vxor.u32 $0x80000000, v10  }
0xbb: {  	(xrf0) =	vmax.scan.msk.u32 $0xffff, v11;
	_ =	sdelay $0x5  }
0xbc: {  	v11, _, _ =	vpop (xrf0)  }
0xbd: {  	(v2sf) =	vpush v11, $0xF;
	_ =	sdelay $0xe  }
0xbe: {  	s28 =	spop (v2sf)  }
0xbf: {  	s26 =	sxor.u32 $0x80000000, s28  }
0xc0: {  	s1 =	sshra.s32 s26, $0x1F  }
0xc1: {  	s1 =	sshrl.u32 s1, $0x1D  }
0xc2: {  	s1 =	sadd.s32 s1, s26  }
0xc3: {  	s29 =	sand.u32 $0xFFFFFFF8, s1  }
0xc4: {  	p0 =	slt.s32 s29, $0x1  }
.Ltmp4:
0xc5: {  	_ = 	snop;
	(pc) =	sbr.rel @p0 .LBB2_10-.Ltmp4, $4  }
0xc6: {  	_ = 	snop  }
0xc7: {  	v14 =	vshll.u32 v13, $0x6;
	v13 =	vld [tilespmem:s0+$0x5180]  }
0xc8: {  	v12 =	vld [tilespmem:s0+$0x4100]  }
0xc9: {  	v14 =	vadd.s32 v8, v14;
	v11 =	vld [tilespmem:s0+$0x3080]  }
0xca: {  	v18 =	vld [tilespmem:s23+$0x0]  }
0xcb: {  	v15 =	vld [tilespmem:s24+$0x3]  }
0xcc: {  	v19 =	vld [tilespmem:s24+$0x1]  }
0xcd: {  	v16 =	vld [tilespmem:s24+$0x4]  }
0xce: {  	v20 =	vld [tilespmem:s25+$0xFFFFFFFD]  }
0xcf: {  	v21 =	vld [tilespmem:s25+$0x2]  }
0xd0: {  	v22 =	vld [tilespmem:s24+$0x2]  }
0xd1: {  	v17 =	vld [tilespmem:s23+$0x3]  }
0xd2: {  	v24 =	vld [tilespmem:s25+$0x3]  }
0xd3: {  	v27 =	vld [tilespmem:s23+$0x2]  }
0xd4: {  	s0 =	simm.s32 $0x5;
	s1 =	simm.s32 $0x4;
	v29 =	vld [tilespmem:s25+$0xFFFFFFFE]  }
0xd5: {  	s3 =	simm.s32 $0x1;
	v32 =	vld [tilespmem:s23+$0x4];
	v25 =	vmov s0;
	v26 =	vmov s1;
	v15 =	vsub.f32 v13, v15  }
0xd6: {  	v34 =	vld [tilespmem:s24+$0x0];
	v31 =	vmov s3;
	v28 =	vsub.f32 v13, v16;
	v33 =	vsub.f32 v11, v17  }
0xd7: {  	v38 =	vld [tilespmem:s24+$0xFFFFFFFD];
	vm1 =	vlt.s32 v25, v10;
	v18 =	vsub.f32 v11, v18;
	v19 =	vsub.f32 v13, v19  }
0xd8: {  	v23 =	vld [tilespmem:s23+$0x1];
	s2 =	simm.s32 $0x2;
	vm0 =	vlt.s32 v26, v10;
	v20 =	vsub.f32 v12, v20;
	v24 =	vsub.f32 v12, v24  }
0xd9: {  	s18 =	simm.s32 $0x6;
	v35 =	vld [tilespmem:s25+$0x4];
	v16 =	vmov s2;
	v25 =	vsub.f32 v11, v27;
	v21 =	vsub.f32 v12, v21  }
0xda: {  	v40 =	vld [tilespmem:s23+$0xFFFFFFFE];
	v17 =	vmov s18;
	v26 =	vsub.f32 v12, v29;
	v22 =	vsub.f32 v13, v22  }
0xdb: {  	v34 =	vsub.f32 v13, v34;
	v32 =	vsub.f32 v11, v32;
	v30 =	vmul.f32 v15, v15  }
0xdc: {  	v38 =	vsub.f32 v13, v38;
	v33 =	vmul.f32 v33, v33;
	v24 =	vmul.f32 v24, v24  }
0xdd: {  	v23 =	vsub.f32 v11, v23;
	v25 =	vmul.f32 v25, v25;
	v21 =	vmul.f32 v21, v21  }
0xde: {  	v36 =	vld [tilespmem:s23+$0xFFFFFFFF];
	v35 =	vsub.f32 v12, v35;
	v37 =	vmul.f32 v18, v18;
	v22 =	vmul.f32 v22, v22  }
0xdf: {  	v59 =	vld [tilespmem:s25+$0x0];
	v40 =	vsub.f32 v11, v40;
	v19 =	vmul.f32 v19, v19;
	v26 =	vmul.f32 v26, v26  }
0xe0: {  	s17 =	simm.s32 $0x7;
	v29 =	vld [tilespmem:s23+$0xFFFFFFFD];
	v20 =	vmul.f32 v20, v20;
	v38 =	vmul.f32 v38, v38;
	v21 =	vadd.f32 v21, v25  }
0xe1: {  	s30 =	simm.s32 $0x0;
	v60 =	vld [tilespmem:s25+$0xFFFFFFFF];
	v15 =	vmov s17;
	v35 =	vmul.f32 v35, v35;
	v32 =	vmul.f32 v32, v32  }
0xe2: {  	v27 =	vld [tilespmem:s25+$0x1];
	v18 =	vadd.f32 v24, v33;
	v24 =	vmov s30;
	v22 =	vadd.f32 v22, v21  }
0xe3: {  	v28 =	vmul.f32 v28, v28;
	v61 =	vmul.f32 v40, v40;
	vm2 =	vlt.s32 v24, v10;
	v24 =	vld [tilespmem:s24+$0xFFFFFFFF]  }
0xe4: {  	v33 =	vsub.f32 v12, v59;
	v32 =	vadd.f32 v35, v32;
	v39 =	vmul.f32 $6.553599830e+00, v22  }
0xe5: {  	v23 =	vmul.f32 v23, v23;
	v29 =	vsub.f32 v11, v29;
	v18 =	vadd.f32 v30, v18  }
0xe6: {  	v25 =	vld [tilespmem:s24+$0xFFFFFFFE];
	v30 =	vsub.f32 v11, v36;
	v36 =	vsub.f32 v12, v60;
	v39 =	vtrunc.f32 v39  }
0xe7: {  	v27 =	vsub.f32 v12, v27;
	v29 =	vmul.f32 v29, v29;
	v39 =	vcvt.f32.s32 v39  }
0xe8: {  	v30 =	vmul.f32 v30, v30;
	v36 =	vmul.f32 v36, v36;
	v24 =	vsub.f32 v13, v24  }
0xe9: {  	v33 =	vmul.f32 v33, v33;
	v29 =	vadd.f32 v20, v29;
	vm3 =	vlt.s32 v39, $0x1000  }
0xea: {  	v20 =	vadd.f32 v36, v30;
	v24 =	vmul.f32 v24, v24;
	v39 =	vnsel vm3, $0x1000, v39  }
0xeb: {  	v26 =	vadd.f32 v26, v61;
	v27 =	vmul.f32 v27, v27;
	v25 =	vsub.f32 v13, v25  }
0xec: {  	v33 =	vadd.f32 v33, v37;
	v30 =	vmul.f32 v34, v34;
	v20 =	vadd.f32 v24, v20  }
0xed: {  	v21 =	vmul.f32 $6.553599830e+00, v18;
	v62 =	vadd.f32 v27, v23;
	v25 =	vmul.f32 v25, v25  }
0xee: {  	vm3 =	vlt.s32 v31, v10;
	v24 =	vadd.f32 v30, v33;
	v31 =	vmul.f32 $6.553599830e+00, v20  }
0xef: {  	p0 =	sgt.s32 s29, $0x8;
	vm4 =	vle.f32 v22, $6.250000000e+02;
	v23 =	vadd.f32 v28, v32;
	v22 =	vadd.f32 v25, v26;
	v30 =	vld.idx.msk [tilespmem:v39+s15+$0x0], $0xffff  }
.Ltmp5:
0xf0: {  	vm1 =	vmand vm1, vm4;
	v63 =	vmul.f32 $6.553599830e+00, v24;
	v25 =	vtrunc.f32 v31;
	(pc) =	sbr.rel @!p0 .LBB2_9-.Ltmp5, $4  }
0xf1: {  	v27 =	vadd.f32 v38, v29;
	v29 =	vmul.f32 $6.553599830e+00, v22;
	v26 =	vcvt.f32.s32 v25  }
0xf2: {  	vm6 =	vle.f32 v22, $6.250000000e+02;
	v31 =	vmul.f32 $6.553599830e+00, v23;
	v28 =	vtrunc.f32 v63  }
0xf3: {  	s31 =	simm.s32 $0x8;
	v25 =	vadd.f32 v19, v62;
	v28 =	vcvt.f32.s32 v28;
	vm4 =	vlt.s32 v26, $0x1000  }
0xf4: {  	s0 =	sadd.s32 $0x8, s25;
	s1 =	sadd.s32 $0x8, s23;
	s2 =	sadd.s32 $0x8, s24;
	v22 =	vnsel vm4, $0x1000, v26;
	v26 =	vtrunc.f32 v31;
	v19 =	vadd.s32 v14, v30  }
.LBB2_8:
0xf5: {  	v30 =	vld [tilespmem:s1+$0x0];
	v29 =	vtrunc.f32 v29;
	v31 =	vmul.f32 $6.553599830e+00, v25;
	vm8 =	vle.f32 v23, $6.250000000e+02;
	s3 =	smov.u32 s31;
	s31 =	sadd.s32 $0x8, s31  }
0xf6: {  	v33 =	vmul.f32 $6.553599830e+00, v27;
	s17 =	sadd.s32 $0x5, s3;
	v32 =	vld [tilespmem:s2+$0x3];
	p0 =	slt.s32 s31, s29;
	v29 =	vcvt.f32.s32 v29;
	vm4 =	vlt.s32 v28, $0x1000  }
0xf7: {  	v34 =	vld [tilespmem:s2+$0x1];
	v35 =	vmov s17;
	v23 =	vnsel vm4, $0x1000, v28;
	v28 =	vtrunc.f32 v31  }
0xf8: {  	v33 =	vtrunc.f32 v33;
	v31 =	vld [tilespmem:s2+$0x4];
	vm4 =	vlt.s32 v29, $0x1000;
	v28 =	vcvt.f32.s32 v28  }
0xf9: {  	vm5 =	vle.f32 v25, $6.250000000e+02;
	v33 =	vcvt.f32.s32 v33;
	v36 =	vld [tilespmem:s0+$0xFFFFFFFD];
	v29 =	vnsel vm4, $0x1000, v29  }
0xfa: {  	vm5 =	vmand vm0, vm5;
	vm4 =	vle.f32 v24, $6.250000000e+02;
	v37 =	vld [tilespmem:s0+$0x2];
	vm7 =	vlt.s32 v28, $0x1000  }
0xfb: {  	vm3 =	vmand vm3, vm6;
	vm0 =	vlt.s32 v33, $0x1000;
	v38 =	vld [tilespmem:s2+$0x2];
	v28 =	vnsel vm7, $0x1000, v28  }
0xfc: {  	v21 =	vtrunc.f32 v21;
	s17 =	sadd.s32 $0x4, s3;
	v24 =	vsub.f32 v13, v32;
	v32 =	vnsel vm0, $0x1000, v33;
	v39 =	vld [tilespmem:s1+$0x3]  }
0xfd: {  	s18 =	sadd.s32 $0x2, s3;
	v21 =	vcvt.f32.s32 v21;
	v40 =	vmov s17;
	v33 =	vld [tilespmem:s1+$0x1];
	v25 =	vsub.f32 v13, v31  }
0xfe: {  	vm10 =	vle.f32 v18, $6.250000000e+02;
	v41 =	vmov s18;
	s17 =	sadd.s32 $0x1, s3;
	v42 =	vmul.f32 v24, v24;
	v31 =	vld [tilespmem:s0+$0xFFFFFFFE]  }
0xff: {  	vm6 =	vlt.s32 v21, $0x1000;
	vm0 =	vle.f32 v27, $6.250000000e+02;
	v24 =	vmov s17;
	s17 =	sadd.s32 $0x7, s3;
	v43 =	vld [tilespmem:s1+$0x4]  }
0x100: {  	s18 =	sadd.s32 $0x6, s3;
	v21 =	vnsel vm6, $0x1000, v21;
	vm9 =	vmand vm2, vm0;
	v27 =	vmov s17;
	v18 =	vld [tilespmem:s0+$0x3]  }
0x101: {  	v44 =	vmov s18;
	s17 =	sadd.s32 $0x3, s30;
	s30 =	smov.u32 s3;
	v32 =	vld.idx.msk [tilespmem:v32+s15+$0x0], $0xffff  }
0x102: {  	vm2 =	vlt.s32 v17, v10;
	v17 =	vmov v44;
	v46 =	vmov s17;
	v45 =	vld [tilespmem:s1+$0x2]  }
0x103: {  	vm11 =	vlt.s32 v15, v10;
	v30 =	vsub.f32 v11, v30;
	v15 =	vmovc v27;
	v39 =	vsub.f32 v11, v39;
	v44 =	vld [tilespmem:s2+$0x0]  }
0x104: {  	vm6 =	vle.f32 v20, $6.250000000e+02;
	vm0 =	vlt.s32 v16, v10;
	v16 =	vmovc v41;
	vm12 =	vlt.s32 v46, v10;
	v27 =	vld [tilespmem:s0+$0x4]  }
0x105: {  	vm7 =	vmand vm0, vm6;
	vm4 =	vmand vm12, vm4;
	v39 =	vmul.f32 v39, v39;
	v20 =	vld [tilespmem:s1+$0xFFFFFFFF]  }
0x106: {  	v26 =	vcvt.f32.s32 v26;
	v34 =	vsub.f32 v13, v34;
	vm6 =	vlt.s32 v35, v10;
	v29 =	vld.idx.msk [tilespmem:v29+s15+$0x0], $0xffff  }
0x107: {  	vm0 =	vlt.s32 v40, v10;
	v35 =	vsub.f32 v12, v36;
	v18 =	vsub.f32 v12, v18;
	v21 =	vld.idx.msk [tilespmem:v21+s15+$0x0], $0xffff  }
0x108: {  	vm8 =	vmand vm11, vm8;
	v31 =	vsub.f32 v12, v31;
	v36 =	vld [tilespmem:s1+$0xFFFFFFFD];
	v40 =	vsub.f32 v13, v44  }
0x109: {  	v30 =	vmul.f32 v30, v30;
	v41 =	vsub.f32 v11, v45;
	v18 =	vmul.f32 v18, v18;
	v28 =	vld.idx.msk [tilespmem:v28+s15+$0x0], $0xffff  }
0x10a: {  	vm10 =	vmand vm2, vm10;
	v32 =	vadd.s32 v14, v32;
	v44 =	vmov s30;
	v45 =	vld [tilespmem:s0+$0x1]  }
0x10b: {  	v34 =	vmul.f32 v34, v34;
	v37 =	vsub.f32 v12, v37;
	v18 =	vadd.f32 v18, v39;
	v46 =	vld [tilespmem:s2+$0xFFFFFFFD]  }
0x10c: {  	v38 =	vsub.f32 v13, v38;
	vm2 =	vlt.s32 v44, v10;
	v41 =	vmul.f32 v41, v41;
	v39 =	vld [tilespmem:s0+$0x0]  }
0x10d: {  	vm11 =	vlt.s32 v26, $0x1000;
	v37 =	vmul.f32 v37, v37;
	v18 =	vadd.f32 v42, v18;
	v44 =	vld [tilespmem:s2+$0xFFFFFFFE]  }
0x10e: {  	v31 =	vmul.f32 v31, v31;
	v20 =	vsub.f32 v11, v20;
	v42 =	vadd.s32 v14, v21;
	v22 =	vld.idx.msk [tilespmem:v22+s15+$0x0], $0xffff  }
0x10f: {  	v21 =	vadd.f32 v37, v41;
	v37 =	vmul.f32 v38, v38;
	v47 =	vld [tilespmem:s2+$0xFFFFFFFF];
	v45 =	vsub.f32 v12, v45  }
0x110: {  	v38 =	vsub.f32 v11, v43;
	v36 =	vsub.f32 v11, v36;
	v28 =	vadd.s32 v14, v28  }
0x111: {  	v29 =	vadd.s32 v14, v29;
	v37 =	vadd.f32 v37, v21;
	v41 =	vsub.f32 v13, v46;
	v43 =	vld [tilespmem:s0+$0xFFFFFFFF]  }
0x112: {  	v26 =	vnsel vm11, $0x1000, v26;
	v35 =	vmul.f32 v35, v35;
	v33 =	vsub.f32 v11, v33;
	[tilespmem:v32+s16+$0x0] =	vst.idx.add.f32.msk vm9, v9  }
0x113: {  	v27 =	vsub.f32 v12, v27;
	v21 =	vmul.f32 $6.553599830e+00, v18;
	v32 =	vmul.f32 $6.553599830e+00, v37;
	[tilespmem:v42+s16+$0x0] =	vst.idx.add.f32.msk vm10, v9  }
0x114: {  	v45 =	vmul.f32 v45, v45;
	v41 =	vmul.f32 v41, v41;
	v44 =	vsub.f32 v13, v44;
	v42 =	vld [tilespmem:s1+$0xFFFFFFFE]  }
0x115: {  	v27 =	vmul.f32 v27, v27;
	v46 =	vsub.f32 v13, v47;
	v32 =	vtrunc.f32 v32;
	[tilespmem:v28+s16+$0x0] =	vst.idx.add.f32.msk vm5, v9  }
0x116: {  	v39 =	vsub.f32 v12, v39;
	v32 =	vcvt.f32.s32 v32;
	v28 =	vsub.f32 v12, v43;
	v23 =	vld.idx.msk [tilespmem:v23+s15+$0x0], $0xffff  }
0x117: {  	v20 =	vmul.f32 v20, v20;
	v36 =	vmul.f32 v36, v36;
	v22 =	vadd.s32 v14, v22;
	v26 =	vld.idx.msk [tilespmem:v26+s15+$0x0], $0xffff  }
0x118: {  	v43 =	vmul.f32 v46, v46;
	vm5 =	vlt.s32 v32, $0x1000;
	v28 =	vmul.f32 v28, v28;
	[tilespmem:v29+s16+$0x0] =	vst.idx.add.f32.msk vm3, v9  }
0x119: {  	v25 =	vmul.f32 v25, v25;
	v29 =	vnsel vm5, $0x1000, v32;
	v32 =	vmul.f32 v38, v38;
	[tilespmem:v19+s16+$0x0] =	vst.idx.add.f32.msk vm1, v9  }
0x11a: {  	v19 =	vadd.f32 v35, v36;
	v35 =	vsub.f32 v11, v42;
	v36 =	vmul.f32 v39, v39  }
0x11b: {  	v20 =	vadd.f32 v28, v20;
	v28 =	vmul.f32 v40, v40;
	v27 =	vadd.f32 v27, v32  }
0x11c: {  	v33 =	vmul.f32 v33, v33;
	v32 =	vmul.f32 v35, v35;
	v30 =	vadd.f32 v36, v30  }
0x11d: {  	v35 =	vadd.s32 v14, v23;
	v20 =	vadd.f32 v43, v20;
	v26 =	vadd.s32 v14, v26  }
0x11e: {  	vm3 =	vlt.s32 v24, v10;
	v31 =	vadd.f32 v31, v32;
	v24 =	vadd.f32 v28, v30;
	v28 =	vld.idx.msk [tilespmem:v29+s15+$0x0], $0xffff  }
0x11f: {  	v32 =	vadd.f32 v45, v33;
	v29 =	vmul.f32 v44, v44;
	v30 =	vmul.f32 $6.553599830e+00, v20;
	[tilespmem:v22+s16+$0x0] =	vst.idx.add.f32.msk vm7, v9  }
0x120: {  	vm1 =	vle.f32 v37, $6.250000000e+02;
	v23 =	vadd.f32 v25, v27;
	v22 =	vmul.f32 $6.553599830e+00, v24  }
.Ltmp6:
0x121: {  	vm1 =	vmand vm6, vm1;
	v31 =	vadd.f32 v29, v31;
	v25 =	vtrunc.f32 v30;
	(pc) =	sbr.rel @p0 .LBB2_8-.Ltmp6, $4  }
0x122: {  	v27 =	vadd.f32 v41, v19;
	v30 =	vcvt.f32.s32 v25;
	v25 =	vadd.f32 v34, v32;
	[tilespmem:v26+s16+$0x0] =	vst.idx.add.f32.msk vm8, v9  }
0x123: {  	v29 =	vmul.f32 $6.553599830e+00, v31;
	vm6 =	vle.f32 v31, $6.250000000e+02;
	v26 =	vmul.f32 $6.553599830e+00, v23;
	[tilespmem:v35+s16+$0x0] =	vst.idx.add.f32.msk vm4, v9  }
0x124: {  	v31 =	vtrunc.f32 v22;
	vm4 =	vlt.s32 v30, $0x1000;
	v19 =	vadd.s32 v14, v28  }
0x125: {  	s2 =	sadd.s32 $0x8, s2;
	s0 =	sadd.s32 $0x8, s0;
	s1 =	sadd.s32 $0x8, s1;
	v28 =	vcvt.f32.s32 v31;
	v22 =	vnsel vm4, $0x1000, v30;
	v26 =	vtrunc.f32 v26  }
.LBB2_9:
0x126: {  	v30 =	vmul.f32 $6.553599830e+00, v27;
	v31 =	vmul.f32 $6.553599830e+00, v25  }
0x127: {  	v21 =	vtrunc.f32 v21;
	v29 =	vtrunc.f32 v29  }
0x128: {  	v26 =	vcvt.f32.s32 v26;
	vm13 =	vle.f32 v27, $6.250000000e+02;
	v21 =	vcvt.f32.s32 v21  }
0x129: {  	v29 =	vcvt.f32.s32 v29;
	vm12 =	vlt.s32 v28, $0x1000;
	v30 =	vtrunc.f32 v30  }
0x12a: {  	v31 =	vtrunc.f32 v31;
	vm11 =	vlt.s32 v26, $0x1000;
	v28 =	vnsel vm12, $0x1000, v28  }
0x12b: {  	v30 =	vcvt.f32.s32 v30;
	vm8 =	vlt.s32 v21, $0x1000;
	v26 =	vnsel vm11, $0x1000, v26  }
0x12c: {  	v31 =	vcvt.f32.s32 v31;
	vm10 =	vlt.s32 v29, $0x1000;
	v21 =	vnsel vm8, $0x1000, v21  }
0x12d: {  	vm5 =	vle.f32 v18, $6.250000000e+02;
	v29 =	vnsel vm10, $0x1000, v29;
	vm4 =	vlt.s32 v30, $0x1000  }
0x12e: {  	vm14 =	vlt.s32 v17, v10;
	v56 =	vld.idx.msk [tilespmem:v22+s15+$0x0], $0xffff;
	vm9 =	vlt.s32 v31, $0x1000;
	v30 =	vnsel vm4, $0x1000, v30  }
0x12f: {  	vm15 =	vle.f32 v23, $6.250000000e+02;
	vm3 =	vmand vm3, vm6;
	v31 =	vnsel vm9, $0x1000, v31;
	v59 =	vld.idx.msk [tilespmem:v28+s15+$0x0], $0xffff  }
0x130: {  	s0 =	sadd.s32 $0x3, s30;
	vm2 =	vmand vm2, vm13;
	vm13 =	vlt.s32 v16, v10;
	vm8 =	vle.f32 v20, $6.250000000e+02;
	v57 =	vld.idx.msk [tilespmem:v26+s15+$0x0], $0xffff  }
0x131: {  	v61 =	vmov s0;
	vm12 =	vle.f32 v24, $6.250000000e+02;
	vm6 =	vmand vm13, vm8;
	v21 =	vld.idx.msk [tilespmem:v21+s15+$0x0], $0xffff  }
0x132: {  	vm4 =	vmand vm14, vm5;
	vm9 =	vlt.s32 v15, v10;
	vm14 =	vlt.s32 v61, v10;
	v54 =	vld.idx.msk [tilespmem:v29+s15+$0x0], $0xffff  }
0x133: {  	v15 =	vadd.s32 v14, v56;
	vm5 =	vmand vm9, vm15;
	vm15 =	vmand vm14, vm12;
	v30 =	vld.idx.msk [tilespmem:v30+s15+$0x0], $0xffff  }
0x134: {  	v31 =	vld.idx.msk [tilespmem:v31+s15+$0x0], $0xffff;
	v63 =	vadd.s32 v14, v59  }
0x135: {  	v62 =	vadd.s32 v14, v57  }
0x136: {  	v21 =	vadd.s32 v14, v21  }
0x137: {  	vm7 =	vle.f32 v25, $6.250000000e+02;
	[tilespmem:v19+s16+$0x0] =	vst.idx.add.f32.msk vm1, v9;
	v60 =	vadd.s32 v14, v54  }
0x138: {  	vm0 =	vmand vm0, vm7;
	[tilespmem:v15+s16+$0x0] =	vst.idx.add.f32.msk vm6, v9;
	v55 =	vadd.s32 v14, v30  }
0x139: {  	v58 =	vadd.s32 v14, v31;
	[tilespmem:v63+s16+$0x0] =	vst.idx.add.f32.msk vm15, v9  }
0x13a: {  	[tilespmem:v62+s16+$0x0] =	vst.idx.add.f32.msk vm5, v9  }
0x13b: {  	[tilespmem:v21+s16+$0x0] =	vst.idx.add.f32.msk vm4, v9  }
0x13c: {  	[tilespmem:v60+s16+$0x0] =	vst.idx.add.f32.msk vm3, v9  }
0x13d: {  	[tilespmem:v55+s16+$0x0] =	vst.idx.add.f32.msk vm2, v9  }
0x13e: {  	[tilespmem:v58+s16+$0x0] =	vst.idx.add.f32.msk vm0, v9  }
.LBB2_10:
0x13f: {  	p0 =	sge.s32 s29, s26  }
.Ltmp7:
0x140: {  	_ = 	snop;
	(pc) =	sbr.rel @p0 .LBB2_13-.Ltmp7, $1  }
0x141: {  	_ =	sdelay $0x3  }
0x142: {  	s0 =	ssub.s32 s26, s29;
	s1 =	sadd.s32 s22, s28  }
0x143: {  	s1 =	ssub.s32 s1, s0  }
0x144: {  	s1 =	sshll.u32 s1, $0x2  }
0x145: {  	s31 =	sshra.s32 s1, $0x2  }
0x146: {  	v15 =	vmov s31;
	_ =	sdelay $0x2  }
0x147: {  	s2 =	simm.s32 $0x4100  }
0x148: {  	s3 =	simm.s32 $0x5180;
	s0 =	ssub.s32 $0x0, s0;
	s1 =	simm.s32 $0x3080  }
.LBB2_12:
0x149: {  	v16 =	vld.idx.msk [tilespmem:v15+s1+$0x0 ss:$0x1], $0xffff  }
0x14a: {  	v17 =	vld.idx.msk [tilespmem:v15+s2+$0x0 ss:$0x1], $0xffff;
	_ =	sdelay $0x1  }
0x14b: {  	v18 =	vld.idx.msk [tilespmem:v15+s3+$0x0 ss:$0x1], $0xffff;
	_ =	sdelay $0x2  }
0x14c: {  	v16 =	vsub.f32 v11, v16;
	v17 =	vsub.f32 v12, v17;
	_ =	sdelay $0x1  }
0x14d: {  	v18 =	vsub.f32 v13, v18;
	v16 =	vmul.f32 v16, v16;
	v17 =	vmul.f32 v17, v17;
	_ =	sdelay $0x1  }
0x14e: {  	v16 =	vadd.f32 v17, v16;
	v17 =	vmul.f32 v18, v18;
	_ =	sdelay $0x1  }
0x14f: {  	v16 =	vadd.f32 v17, v16;
	_ =	sdelay $0x1  }
0x150: {  	v17 =	vmul.f32 $6.553599830e+00, v16;
	_ =	sdelay $0x1  }
0x151: {  	v17 =	vtrunc.f32 v17  }
0x152: {  	v17 =	vcvt.f32.s32 v17;
	_ =	sdelay $0x1  }
0x153: {  	vm0 =	vlt.s32 v17, $0x1000  }
0x154: {  	v17 =	vnsel vm0, $0x1000, v17;
	_ =	sdelay $0x4  }
0x155: {  	v17 =	vld.idx.msk [tilespmem:v17+s15+$0x0], $0xffff  }
0x156: {  	s17 =	sadd.s32 s0, s26  }
0x157: {  	v63 =	vmov s17  }
0x158: {  	vm15 =	vlt.s32 v63, v10;
	vm1 =	vle.f32 v16, $6.250000000e+02  }
0x159: {  	s0 =	sadd.s32 $0x1, s0;
	vm0 =	vmand vm15, vm1  }
0x15a: {  	p0 =	seq.s32 s0, $0x0;
	v16 =	vadd.s32 v14, v17  }
.Ltmp8:
0x15b: {  	_ = 	snop;
	(pc) =	sbr.rel @!p0 .LBB2_12-.Ltmp8, $2  }
0x15c: {  	_ =	sdelay $0x2  }
0x15d: {  	s1 =	sadd.s32 $0x1, s1;
	s2 =	sadd.s32 $0x1, s2;
	s3 =	sadd.s32 $0x1, s3;
	[tilespmem:v16+s16+$0x0] =	vst.idx.add.f32.msk vm0, v9  }
.Ltmp9:
0x15e: {  	_ = 	snop;
	(pc) =	sbr.rel .LBB2_13-.Ltmp9, $1  }
0x15f: {  	_ =	sdelay $0x3  }
.LBB2_14:
0x160: {  	s0 =	simm.s32 $0xA310  }
0x161: {  	v10 =	vld [tilespmem:s0+$0xFFFFDFF0]  }
0x162: {  	v12 =	vld [tilespmem:s0+$0xFFFFE000]  }
0x163: {  	v14 =	vld [tilespmem:s0+$0xFFFFE400]  }
0x164: {  	v16 =	vld [tilespmem:s0+$0xFFFFE800]  }
0x165: {  	v18 =	vld [tilespmem:s0+$0xFFFFEC00]  }
0x166: {  	v20 =	vld [tilespmem:s0+$0xFFFFF000]  }
0x167: {  	v22 =	vld [tilespmem:s0+$0xFFFFF400]  }
0x168: {  	v24 =	vld [tilespmem:s0+$0xFFFFF800]  }
0x169: {  	v26 =	vld [tilespmem:s0+$0xFFFFFC00]  }
0x16a: {  	v28 =	vld [tilespmem:s0+$0x0]  }
0x16b: {  	v30 =	vld [tilespmem:s0+$0x400]  }
0x16c: {  	v32 =	vld [tilespmem:s0+$0x800]  }
0x16d: {  	v34 =	vld [tilespmem:s0+$0xC00]  }
0x16e: {  	v36 =	vld [tilespmem:s0+$0x1000]  }
0x16f: {  	v38 =	vld [tilespmem:s0+$0x1400]  }
0x170: {  	s1 =	simm.s32 $0x0;
	v40 =	vld [tilespmem:s0+$0x1800]  }
0x171: {  	s1 =	sand.u32 $0x3E0, s1;
	v41 =	vld [tilespmem:s0+$0x1C00]  }
0x172: {  	v11 =	vld [tilespmem:s1+$0x8700]  }
0x173: {  	v13 =	vld [tilespmem:s1+$0x8B00]  }
0x174: {  	v15 =	vld [tilespmem:s1+$0x8F00]  }
0x175: {  	v17 =	vld [tilespmem:s1+$0x9300]  }
0x176: {  	v19 =	vld [tilespmem:s1+$0x9700]  }
0x177: {  	v21 =	vld [tilespmem:s1+$0x9B00]  }
0x178: {  	v23 =	vld [tilespmem:s1+$0x9F00]  }
0x179: {  	v25 =	vld [tilespmem:s1+$0xA300]  }
0x17a: {  	v27 =	vld [tilespmem:s1+$0xA700]  }
0x17b: {  	v29 =	vld [tilespmem:s1+$0xAB00]  }
0x17c: {  	v31 =	vld [tilespmem:s1+$0xAF00]  }
0x17d: {  	v33 =	vld [tilespmem:s1+$0xB300]  }
0x17e: {  	v35 =	vld [tilespmem:s1+$0xB700]  }
0x17f: {  	v37 =	vld [tilespmem:s1+$0xBB00]  }
0x180: {  	s2 =	simm.s32 $0xA330;
	s30 =	simm.s32 $0x20;
	v39 =	vld [tilespmem:s1+$0xBF00];
	v10 =	vadd.f32 v11, v10  }
0x181: {  	s31 =	sand.u32 $0x3E0, s30;
	v11 =	vadd.f32 v14, v12;
	v12 =	vld [tilespmem:s2+$0xFFFFDFF0]  }
0x182: {  	v14 =	vld [tilespmem:s31+$0x8700];
	v10 =	vadd.f32 v13, v10  }
0x183: {  	v11 =	vadd.f32 v16, v11;
	v13 =	vld [tilespmem:s2+$0xFFFFE000]  }
0x184: {  	v16 =	vld [tilespmem:s31+$0x8B00];
	v10 =	vadd.f32 v15, v10  }
0x185: {  	v11 =	vadd.f32 v18, v11;
	v15 =	vld [tilespmem:s2+$0xFFFFE400]  }
0x186: {  	v18 =	vld [tilespmem:s31+$0x8F00];
	v10 =	vadd.f32 v17, v10  }
0x187: {  	v12 =	vadd.f32 v14, v12;
	v11 =	vadd.f32 v20, v11;
	v17 =	vld [tilespmem:s2+$0xFFFFE800]  }
0x188: {  	v14 =	vld [tilespmem:s31+$0x9300];
	v10 =	vadd.f32 v19, v10  }
0x189: {  	v12 =	vadd.f32 v16, v12;
	v11 =	vadd.f32 v22, v11;
	v19 =	vld [tilespmem:s2+$0xFFFFEC00]  }
0x18a: {  	v13 =	vadd.f32 v15, v13;
	v15 =	vld [tilespmem:s31+$0x9700];
	v10 =	vadd.f32 v21, v10  }
0x18b: {  	v16 =	vld [tilespmem:s2+$0xFFFFF000];
	v12 =	vadd.f32 v18, v12;
	v11 =	vadd.f32 v24, v11  }
0x18c: {  	v13 =	vadd.f32 v17, v13;
	v17 =	vld [tilespmem:s31+$0x9B00];
	v10 =	vadd.f32 v23, v10  }
0x18d: {  	v18 =	vld [tilespmem:s2+$0xFFFFF400];
	v12 =	vadd.f32 v14, v12;
	v11 =	vadd.f32 v26, v11  }
0x18e: {  	v14 =	vld [tilespmem:s31+$0x9F00];
	v13 =	vadd.f32 v19, v13;
	v10 =	vadd.f32 v25, v10  }
0x18f: {  	v19 =	vld [tilespmem:s2+$0xFFFFF800];
	v11 =	vadd.f32 v28, v11;
	v12 =	vadd.f32 v15, v12  }
0x190: {  	v15 =	vld [tilespmem:s31+$0xA300];
	v13 =	vadd.f32 v16, v13;
	v10 =	vadd.f32 v27, v10  }
0x191: {  	v16 =	vld [tilespmem:s2+$0xFFFFFC00];
	v11 =	vadd.f32 v30, v11;
	v12 =	vadd.f32 v17, v12  }
0x192: {  	v17 =	vld [tilespmem:s31+$0xA700];
	v13 =	vadd.f32 v18, v13;
	v10 =	vadd.f32 v29, v10  }
0x193: {  	v18 =	vld [tilespmem:s2+$0x0];
	v11 =	vadd.f32 v32, v11;
	v12 =	vadd.f32 v14, v12  }
0x194: {  	v14 =	vld [tilespmem:s31+$0xAB00];
	v13 =	vadd.f32 v19, v13;
	v10 =	vadd.f32 v31, v10  }
0x195: {  	v19 =	vld [tilespmem:s2+$0x400];
	v11 =	vadd.f32 v34, v11;
	v12 =	vadd.f32 v15, v12  }
0x196: {  	v15 =	vld [tilespmem:s31+$0xAF00];
	v13 =	vadd.f32 v16, v13;
	v10 =	vadd.f32 v33, v10  }
0x197: {  	v16 =	vld [tilespmem:s2+$0x800];
	v11 =	vadd.f32 v36, v11;
	v12 =	vadd.f32 v17, v12  }
0x198: {  	v17 =	vld [tilespmem:s31+$0xB300];
	v13 =	vadd.f32 v18, v13;
	v10 =	vadd.f32 v35, v10  }
0x199: {  	v18 =	vld [tilespmem:s2+$0xC00];
	v11 =	vadd.f32 v38, v11;
	v12 =	vadd.f32 v14, v12  }
0x19a: {  	v13 =	vadd.f32 v19, v13;
	v19 =	vld [tilespmem:s31+$0xB700];
	v14 =	vadd.f32 v37, v10  }
0x19b: {  	v63 =	vld [tilespmem:s2+$0x1000];
	v11 =	vadd.f32 v40, v11;
	v12 =	vadd.f32 v15, v12  }
0x19c: {  	v10 =	vld [tilespmem:s31+$0xBB00];
	v13 =	vadd.f32 v16, v13;
	v14 =	vadd.f32 v39, v14  }
0x19d: {  	s0 =	simm.s32 $0xC310;
	v15 =	vadd.f32 v41, v11;
	v11 =	vld [tilespmem:s2+$0x1400];
	v16 =	vadd.f32 v17, v12  }
0x19e: {  	v12 =	vld [tilespmem:s31+$0xBF00];
	v13 =	vadd.f32 v18, v13;
	[tilespmem:s0+$0xFFFFFFF0] =	vst v14  }
0x19f: {  	v14 =	vld [tilespmem:s2+$0x1800];
	[tilespmem:s0+$0x0] =	vst v15;
	v15 =	vadd.f32 v19, v16  }
0x1a0: {  	s21 =	simm.s32 $0x40;
	s1 =	simm.s32 $0x2;
	v16 =	vadd.f32 v63, v13;
	v13 =	vld [tilespmem:s2+$0x1C00];
	s2 =	simm.s32 $0xA350  }
.LBB2_15:
0x1a1: {  	v17 =	vld [tilespmem:s2+$0xFFFFDFF0];
	s22 =	sand.u32 $0x3E0, s21;
	s1 =	sadd.s32 $0x2, s1;
	v10 =	vadd.f32 v10, v15  }
0x1a2: {  	v15 =	vld [tilespmem:s22+$0x8700];
	p0 =	slt.u32 s1, $0x3E;
	v11 =	vadd.f32 v11, v16  }
0x1a3: {  	v16 =	vld [tilespmem:s2+$0xFFFFE000];
	v10 =	vadd.f32 v12, v10  }
0x1a4: {  	s0 =	sadd.s32 $0x20, s0;
	v12 =	vld [tilespmem:s22+$0x8B00];
	v11 =	vadd.f32 v14, v11  }
0x1a5: {  	v14 =	vld [tilespmem:s2+$0xFFFFE400];
	[tilespmem:s0+$0xFFFFFFF0] =	vst v10  }
0x1a6: {  	v10 =	vld [tilespmem:s22+$0x8F00];
	v11 =	vadd.f32 v13, v11  }
0x1a7: {  	v13 =	vadd.f32 v15, v17;
	v15 =	vld [tilespmem:s2+$0xFFFFE800]  }
0x1a8: {  	v17 =	vld [tilespmem:s22+$0x9300];
	[tilespmem:s0+$0x0] =	vst v11  }
0x1a9: {  	v11 =	vadd.f32 v12, v13;
	v12 =	vld [tilespmem:s2+$0xFFFFEC00]  }
0x1aa: {  	v13 =	vld [tilespmem:s22+$0x9700];
	v14 =	vadd.f32 v14, v16  }
0x1ab: {  	v10 =	vadd.f32 v10, v11;
	v11 =	vld [tilespmem:s2+$0xFFFFF000]  }
0x1ac: {  	v16 =	vld [tilespmem:s22+$0x9B00];
	v14 =	vadd.f32 v15, v14  }
0x1ad: {  	v10 =	vadd.f32 v17, v10;
	v15 =	vld [tilespmem:s2+$0xFFFFF400]  }
0x1ae: {  	v17 =	vld [tilespmem:s22+$0x9F00];
	v12 =	vadd.f32 v12, v14  }
0x1af: {  	v10 =	vadd.f32 v13, v10;
	v13 =	vld [tilespmem:s2+$0xFFFFF800]  }
0x1b0: {  	v14 =	vld [tilespmem:s22+$0xA300];
	v11 =	vadd.f32 v11, v12  }
0x1b1: {  	v10 =	vadd.f32 v16, v10;
	v12 =	vld [tilespmem:s2+$0xFFFFFC00]  }
0x1b2: {  	v16 =	vld [tilespmem:s22+$0xA700];
	v11 =	vadd.f32 v15, v11  }
0x1b3: {  	v10 =	vadd.f32 v17, v10;
	v15 =	vld [tilespmem:s2+$0x0]  }
0x1b4: {  	v17 =	vld [tilespmem:s22+$0xAB00];
	v11 =	vadd.f32 v13, v11  }
0x1b5: {  	v10 =	vadd.f32 v14, v10;
	v13 =	vld [tilespmem:s2+$0x400]  }
0x1b6: {  	v14 =	vld [tilespmem:s22+$0xAF00];
	v11 =	vadd.f32 v12, v11  }
0x1b7: {  	v10 =	vadd.f32 v16, v10;
	v12 =	vld [tilespmem:s2+$0x800]  }
0x1b8: {  	v16 =	vld [tilespmem:s22+$0xB300];
	v11 =	vadd.f32 v15, v11  }
0x1b9: {  	v10 =	vadd.f32 v17, v10;
	v15 =	vld [tilespmem:s2+$0xC00]  }
0x1ba: {  	v17 =	vld [tilespmem:s22+$0xB700];
	v11 =	vadd.f32 v13, v11  }
0x1bb: {  	v13 =	vadd.f32 v14, v10;
	v18 =	vld [tilespmem:s2+$0x1000]  }
.Ltmp10:
0x1bc: {  	v10 =	vld [tilespmem:s22+$0xBB00];
	v14 =	vadd.f32 v12, v11;
	(pc) =	sbr.rel @p0 .LBB2_15-.Ltmp10, $4  }
0x1bd: {  	v13 =	vadd.f32 v16, v13;
	v11 =	vld [tilespmem:s2+$0x1400]  }
0x1be: {  	v12 =	vld [tilespmem:s22+$0xBF00];
	v16 =	vadd.f32 v15, v14  }
0x1bf: {  	v15 =	vadd.f32 v17, v13;
	v14 =	vld [tilespmem:s2+$0x1800]  }
0x1c0: {  	s21 =	sadd.s32 $0x20, s21;
	v16 =	vadd.f32 v18, v16;
	v13 =	vld [tilespmem:s2+$0x1C00];
	s2 =	sadd.s32 $0x20, s2  }
0x1c1: {  	_ = 	snop  }
0x1c2: {  	v11 =	vadd.f32 v11, v16  }
0x1c3: {  	v10 =	vadd.f32 v10, v15  }
0x1c4: {  	v11 =	vadd.f32 v14, v11  }
0x1c5: {  	v10 =	vadd.f32 v12, v10  }
0x1c6: {  	s0 =	sadd.s32 $0x20, s0;
	s20 =	sadd.s32 $0x1, s20;
	v11 =	vadd.f32 v13, v11  }
0x1c7: {  	p0 =	sne.s32 s20, s8;
	[tilespmem:s0+$0xFFFFFFF0] =	vst v10  }
.Ltmp11:
0x1c8: {  	s31 =	simm.s32 $0x80;
	s1 =	simm.s32 $0x400;
	[tilespmem:s0+$0x0] =	vst v11;
	(pc) =	sbr.rel @p0 .LBB2_1-.Ltmp11, $4  }
0x1c9: {  	[hbm4b:s7+s31] =	stream.strided.scatter [tilespmem:s19], [sflag:$0x1], $0x400, s1, s31, $0x38;
	[tilespmem:$0xC700] =	vst v63  }
0x1ca: {  	_ =	swait.ge [sflag:s13], $0x400  }
0x1cb: {  	[sflag:s13] =	ssyncset.done $0x0  }
0x1cc: {  	[sflag:s13] =	ssyncadd.s32 $0xFFFFFC00  }
0x1cd: {  	_ =	sfence.sel $0x180000  }
0x1ce: {  	[bflag:$0x0] =	sbarrier.arrive $0xFFFF  }
0x1cf: {  	_ =	strace $0x90000047  }
0x1d0: {  	s0 =	stileid.u32;
	[bflag:$0x2] =	sbarrier.arrive $0xFFFF  }
0x1d1: {  	p0 =	sne.s32 s0, $0x0;
	s0 =	rddreg [dreg:$0x3]  }
0x1d2: {  	s0 =	sadd.s32 @!p0 $0x100000, s0  }
0x1d3: {  	[sflag:s0] =	ssyncadd.tile.s32 @!p0 $0x1;
	_ =	shalt  }
.Lfunc_end2:
_tile_overlayer_lowered:
.L_overlay_start_2:
0x1d4: {  	(tag) =	ssettag $0x2  }
0x1d5: {  	s0 =	rddreg [dreg:$0x0];
	s2 =	stileid.u32  }
0x1d6: {  	s1 =	rddreg [dreg:$0x1];
	p0 =	sne.s32 s2, $0x0  }
0x1d7: {  	s3 =	rddreg [dreg:$0x2];
	[bflag:$0x3] =	sbarrier.arrive $0xFFFF;
	s2 =	simm.s32 @!p0 $0x1C01  }
0x1d8: {  	[timem:s3], [sflag:s2] =	dma.local @!p0 [hbm:s0], s1  }
0x1d9: {  	s0 =	simm.s32 @!p0 $0x1  }
0x1da: {  	_ =	swait.ge @!p0 [sflag:s0], s1  }
0x1db: {  	s1 =	ssub.s32 @!p0 $0x0, s1;
	[sflag:s0] =	ssyncset.done @!p0 $0x0  }
0x1dc: {  	[sflag:s0] =	ssyncadd.s32 @!p0 s1  }
0x1dd: {  	[bflag:$0x3] =	sbarrier.arrive $0xFFFF  }
0x1de: {  	_ =	shalt  }

</sc_bundles>
